<compile_context>
chip_gen: v7x
topology: tpu7x:2x2x1
jax: 0.10.2.dev20260603
libtpu: 0.0.44.dev20260713+nightly
codegen_flags: <defaults>
</compile_context>

<pallas_src>
import functools
import math

import jax
import jax.numpy as jnp
from jax.experimental import pallas as pl
from jax.experimental.pallas import tpu as pltpu


def _fwd_kernel(cos_ref, sin_ref, xq_ref, xk_ref,
                cq_ref, sq_ref, ck_ref, sk_ref):
    k = pl.program_id(2)

    @pl.when(k == 0)
    def _():
        cq_ref[...] = jnp.zeros_like(cq_ref)
        sq_ref[...] = jnp.zeros_like(sq_ref)
        ck_ref[...] = jnp.zeros_like(ck_ref)
        sk_ref[...] = jnp.zeros_like(sk_ref)

    c = cos_ref[...]
    s = sin_ref[...]
    xq = xq_ref[...]
    xk = xk_ref[...]
    cq_ref[...] += jnp.dot(c, xq, preferred_element_type=jnp.float32, precision=jax.lax.Precision.HIGHEST)
    sq_ref[...] += jnp.dot(s, xq, preferred_element_type=jnp.float32, precision=jax.lax.Precision.HIGHEST)
    ck_ref[...] += jnp.dot(c, xk, preferred_element_type=jnp.float32, precision=jax.lax.Precision.HIGHEST)
    sk_ref[...] += jnp.dot(s, xk, preferred_element_type=jnp.float32, precision=jax.lax.Precision.HIGHEST)


def _inv_kernel(inv_l, cos_ref, sin_ref, cq_ref, sq_ref, ck_ref, sk_ref,
                corr_ref):
    k = pl.program_id(2)

    @pl.when(k == 0)
    def _():
        corr_ref[...] = jnp.zeros_like(corr_ref)

    cq = cq_ref[...]
    sq = sq_ref[...]
    ck = ck_ref[...]
    sk = sk_ref[...]
    pr = (cq * ck + sq * sk) * inv_l
    pi = (cq * sk - sq * ck) * inv_l
    corr_ref[...] += (
        jnp.dot(cos_ref[...], pr, preferred_element_type=jnp.float32, precision=jax.lax.Precision.HIGHEST)
        - jnp.dot(sin_ref[...], pi, preferred_element_type=jnp.float32, precision=jax.lax.Precision.HIGHEST))


def _topk_kernel(seq_len, topk, corr_ref, w_ref, i_ref):
    c = corr_ref[...]
    tn = c.shape[1]
    iota = jax.lax.broadcasted_iota(jnp.int32, (seq_len, tn), 0)

    vals = []
    idxs = []
    for _ in range(topk):
        m = jnp.max(c, axis=0, keepdims=True)
        a = jnp.min(jnp.where(c == m, iota, seq_len), axis=0,
                    keepdims=True)
        vals.append(m)
        idxs.append(a)
        c = jnp.where(iota == a, -jnp.inf, c)

    w = jnp.concatenate(vals, axis=0)
    wmax = jnp.max(w, axis=0, keepdims=True)
    e = jnp.exp(w - wmax)
    w_ref[...] = e / jnp.sum(e, axis=0, keepdims=True)
    i_ref[...] = jnp.concatenate(idxs, axis=0)


def _gather_kernel(seq_len, v_ref, w_ref, i_ref, o_ref):
    i = pl.program_id(1)

    @pl.when(i == 0)
    def _():
        o_ref[...] = jnp.zeros_like(o_ref)

    u = v_ref[...]
    tn = u.shape[1]
    idx = i_ref[0]
    nbits = seq_len.bit_length() - 1
    for bit in range(nbits):
        s = 1 << bit
        tail = jnp.broadcast_to(u[seq_len - 1:, :], (s, tn))
        shifted = jnp.concatenate([u[s:, :], tail], axis=0)
        take = ((idx >> bit) & 1) == 1
        u = jnp.where(take, shifted, u)
    o_ref[...] += w_ref[0] * u


def kernel(Q, K, V):
    B, L, D = Q.shape
    cols = B * D
    topk = int(2 * math.log(L))
    f32 = jnp.float32

    xq = jnp.transpose(Q, (1, 0, 2)).reshape(L, cols)
    xk = jnp.transpose(K, (1, 0, 2)).reshape(L, cols)
    xv = jnp.transpose(V, (1, 0, 2)).reshape(L, cols)

    t = jnp.arange(L, dtype=jnp.int32)
    phase = (t[:, None] * t[None, :]) % L
    ang = phase.astype(f32) * f32(2.0 * math.pi / L)
    cos_m = jnp.cos(ang)
    sin_m = jnp.sin(ang)

    tm = min(512, L)
    tk = min(512, L)
    tn = min(512, cols)
    grid = (L // tm, cols // tn, L // tk)
    mat_specs = dict(
        cos=pl.BlockSpec((tm, tk), lambda i, j, k: (i, k)),
        x=pl.BlockSpec((tk, tn), lambda i, j, k: (k, j)),
        out=pl.BlockSpec((tm, tn), lambda i, j, k: (i, j)),
    )
    lcol = jax.ShapeDtypeStruct((L, cols), f32)

    cq, sq, ck, sk = pl.pallas_call(
        _fwd_kernel,
        grid=grid,
        in_specs=[mat_specs["cos"], mat_specs["cos"],
                  mat_specs["x"], mat_specs["x"]],
        out_specs=[mat_specs["out"]] * 4,
        out_shape=[lcol] * 4,
        compiler_params=pltpu.CompilerParams(
            dimension_semantics=("parallel", "parallel", "arbitrary")),
    )(cos_m, sin_m, xq, xk)

    corr = pl.pallas_call(
        functools.partial(_inv_kernel, float(1.0 / L)),
        grid=grid,
        in_specs=[mat_specs["cos"], mat_specs["cos"]] + [mat_specs["x"]] * 4,
        out_specs=mat_specs["out"],
        out_shape=lcol,
        compiler_params=pltpu.CompilerParams(
            dimension_semantics=("parallel", "parallel", "arbitrary")),
    )(cos_m, sin_m, cq, sq, ck, sk)

    tn2 = min(256, cols)
    wk, ik = pl.pallas_call(
        functools.partial(_topk_kernel, L, topk),
        grid=(cols // tn2,),
        in_specs=[pl.BlockSpec((L, tn2), lambda j: (0, j))],
        out_specs=[pl.BlockSpec((topk, tn2), lambda j: (0, j))] * 2,
        out_shape=[jax.ShapeDtypeStruct((topk, cols), f32),
                   jax.ShapeDtypeStruct((topk, cols), jnp.int32)],
    )(corr)

    wk3 = wk.reshape(topk, 1, cols)
    ik3 = ik.reshape(topk, 1, cols)
    out_cols = pl.pallas_call(
        functools.partial(_gather_kernel, L),
        grid=(cols // tn2, topk),
        in_specs=[pl.BlockSpec((L, tn2), lambda j, i: (0, j)),
                  pl.BlockSpec((1, 1, tn2), lambda j, i: (i, 0, j)),
                  pl.BlockSpec((1, 1, tn2), lambda j, i: (i, 0, j))],
        out_specs=pl.BlockSpec((L, tn2), lambda j, i: (0, j)),
        out_shape=lcol,
    )(xv, wk3, ik3)

    return jnp.transpose(out_cols.reshape(L, B, D), (1, 0, 2))

# --- scband reference (transcript-rebuilt; emitter-appended) ---
"""Pipeline reference for scband-auto-correlation-18580028522947 (READ-ONLY COPY).

The authoritative reference and input builder live on the scoring server;
editing this copy changes nothing except your own understanding.
"""

import jax, jax.numpy as jnp
import numpy as np
import math

D_MODEL = 768
H = 12
C = 2


def setup_inputs(seed: int = 0) -> dict:
    key = jax.random.key(seed)
    k1, k2, k3 = jax.random.split(key, 3)
    B, L = 4, 4096
    Q = jax.random.normal(k1, (B, L, D_MODEL), dtype=jnp.float32)
    K = jax.random.normal(k2, (B, L, D_MODEL), dtype=jnp.float32)
    V = jax.random.normal(k3, (B, L, D_MODEL), dtype=jnp.float32)
    return {"Q": Q, "K": K, "V": V}


def reference(Q, K, V):
    B, L, _ = Q.shape
    dh = D_MODEL // H
    Qh = Q.reshape(B, L, H, dh).transpose(0, 2, 1, 3)  # [B,H,L,dh]
    Kh = K.reshape(B, L, H, dh).transpose(0, 2, 1, 3)
    Vh = V.reshape(B, L, H, dh).transpose(0, 2, 1, 3)
    Qf = jnp.fft.fft(Qh, axis=2)
    Kf = jnp.fft.fft(Kh, axis=2)
    Corr = jnp.real(jnp.fft.ifft(Qf * jnp.conj(Kf), axis=2))  # [B,H,L,dh]
    topk = int(C * math.log(L))
    # top-k over the lag (L) axis, per (b, h, feature) channel
    Ct = jnp.transpose(Corr, (0, 1, 3, 2))  # [B,H,dh,L]
    W_t, I_t = jax.lax.top_k(Ct, topk)  # [B,H,dh,topk]
    W_topk = jnp.transpose(W_t, (0, 1, 3, 2))  # [B,H,topk,dh]
    I_topk = jnp.transpose(I_t, (0, 1, 3, 2))  # [B,H,topk,dh]
    W_topk = jax.nn.softmax(W_topk, axis=2)
    V2 = jnp.concatenate([Vh, Vh], axis=2)  # [B,H,2L,dh]  (V.repeat(1,1,2,1))
    Index = jnp.arange(L)[None, None, :, None]  # time offsets along lag axis
    R = jnp.zeros_like(Vh)  # [B,H,L,dh]
    for i in range(topk):
        idx = jnp.clip(I_topk[:, :, i, :][:, :, None, :] + Index, None, L - 1)  # clamp(max=L-1)
        R = R + W_topk[:, :, i, :][:, :, None, :] * jnp.take_along_axis(V2, idx, axis=2)
    out = jnp.transpose(R, (0, 2, 1, 3)).reshape(B, L, D_MODEL)
    return out

if __name__ == "__main__":
    import jax
    _d = setup_inputs()
    print(jax.jit(kernel)(*tuple(_d.values())))

</pallas_src>

<mosaic_0001>
module attributes {stable_mosaic.version = 14 : i64} {
  func.func @_inv_kernel(%arg0: i32, %arg1: i32, %arg2: i32, %arg3: memref<512x512xf32, #tpu.memory_space<vmem>>, %arg4: memref<512x512xf32, #tpu.memory_space<vmem>>, %arg5: memref<512x512xf32, #tpu.memory_space<vmem>>, %arg6: memref<512x512xf32, #tpu.memory_space<vmem>>, %arg7: memref<512x512xf32, #tpu.memory_space<vmem>>, %arg8: memref<512x512xf32, #tpu.memory_space<vmem>>, %arg9: memref<512x512xf32, #tpu.memory_space<vmem>>) attributes {dimension_semantics = [#tpu.dimension_semantics<parallel>, #tpu.dimension_semantics<parallel>, #tpu.dimension_semantics<arbitrary>], iteration_bounds = array<i64: 8, 6, 8>, scalar_prefetch = 0 : i64, scratch_operands = 0 : i64, tpu.core_type = #tpu.core_type<tc>, window_params = [{transform_indices = @transform_0, window_bounds = array<i64: 512, 512>}, {transform_indices = @transform_1, window_bounds = array<i64: 512, 512>}, {transform_indices = @transform_2, window_bounds = array<i64: 512, 512>}, {transform_indices = @transform_3, window_bounds = array<i64: 512, 512>}, {transform_indices = @transform_4, window_bounds = array<i64: 512, 512>}, {transform_indices = @transform_5, window_bounds = array<i64: 512, 512>}, {transform_indices = @transform_6, window_bounds = array<i64: 512, 512>}]} {
    %eq3A = arith.constant 0 : i32
    %eq3A_0 = arith.cmpi eq, %arg2, %eq3A : i32
    %convert_element_type3A = arith.extui %eq3A_0 : i1 to i32
    %cond3A = arith.constant 0 : i32
    %cond3A_1 = arith.cmpi ne, %convert_element_type3A, %cond3A : i32
    scf.if %cond3A_1 {
      %broadcast_in_dim3A = arith.constant 0.000000e+00 : f32
      %broadcast_in_dim3A_38 = vector.broadcast %broadcast_in_dim3A : f32 to vector<512x512xf32>
      %swap3A_39 = arith.constant 0 : index
      %swap3A_40 = arith.constant 0 : index
      %swap3A_41 = vector.load %arg9[%swap3A_39, %swap3A_40] : memref<512x512xf32, #tpu.memory_space<vmem>>, vector<512x512xf32>
      tpu.vector_store %arg9[%swap3A_39, %swap3A_40], %broadcast_in_dim3A_38 {strides = array<i32>} : memref<512x512xf32, #tpu.memory_space<vmem>>, vector<512x512xf32>,
    } else {
    }
    %get3A = arith.constant 0 : index
    %get3A_2 = arith.constant 0 : index
    %get3A_3 = vector.load %arg5[%get3A, %get3A_2] : memref<512x512xf32, #tpu.memory_space<vmem>>, vector<512x512xf32>
    %get3A_4 = arith.constant 0 : index
    %get3A_5 = arith.constant 0 : index
    %get3A_6 = vector.load %arg6[%get3A_4, %get3A_5] : memref<512x512xf32, #tpu.memory_space<vmem>>, vector<512x512xf32>
    %get3A_7 = arith.constant 0 : index
    %get3A_8 = arith.constant 0 : index
    %get3A_9 = vector.load %arg7[%get3A_7, %get3A_8] : memref<512x512xf32, #tpu.memory_space<vmem>>, vector<512x512xf32>
    %get3A_10 = arith.constant 0 : index
    %get3A_11 = arith.constant 0 : index
    %get3A_12 = vector.load %arg8[%get3A_10, %get3A_11] : memref<512x512xf32, #tpu.memory_space<vmem>>, vector<512x512xf32>
    %mul3A = arith.mulf %get3A_3, %get3A_9 : vector<512x512xf32>
    %mul3A_13 = arith.mulf %get3A_6, %get3A_12 : vector<512x512xf32>
    %add3A = arith.addf %mul3A, %mul3A_13 : vector<512x512xf32>
    %mul3A_14 = arith.constant 2.44140625E-4 : f32
    %mul3A_15 = vector.broadcast %mul3A_14 : f32 to vector<512x512xf32>
    %mul3A_16 = arith.mulf %add3A, %mul3A_15 : vector<512x512xf32>
    %mul3A_17 = arith.mulf %get3A_3, %get3A_12 : vector<512x512xf32>
    %mul3A_18 = arith.mulf %get3A_6, %get3A_9 : vector<512x512xf32>
    %sub3A = arith.subf %mul3A_17, %mul3A_18 : vector<512x512xf32>
    %mul3A_19 = arith.constant 2.44140625E-4 : f32
    %mul3A_20 = vector.broadcast %mul3A_19 : f32 to vector<512x512xf32>
    %mul3A_21 = arith.mulf %sub3A, %mul3A_20 : vector<512x512xf32>
    %get3A_22 = arith.constant 0 : index
    %get3A_23 = arith.constant 0 : index
    %get3A_24 = vector.load %arg9[%get3A_22, %get3A_23] : memref<512x512xf32, #tpu.memory_space<vmem>>, vector<512x512xf32>
    %get3A_25 = arith.constant 0 : index
    %get3A_26 = arith.constant 0 : index
    %get3A_27 = vector.load %arg3[%get3A_25, %get3A_26] : memref<512x512xf32, #tpu.memory_space<vmem>>, vector<512x512xf32>
    %dot_general3A = arith.constant dense<0.000000e+00> : vector<512x512xf32>
    %dot_general3A_28 = tpu.matmul %get3A_27, %mul3A_16, %dot_general3A {dimension_numbers = #tpu.dot_dimension_numbers<[1], [0], [0], [1], [0, 0, 1, 1], [], []>, precision = #tpu.contract_precision<fp32>, transpose_lhs_hint = false} : vector<512x512xf32>, vector<512x512xf32>, vector<512x512xf32> -> vector<512x512xf32>
    %get3A_29 = arith.constant 0 : index
    %get3A_30 = arith.constant 0 : index
    %get3A_31 = vector.load %arg4[%get3A_29, %get3A_30] : memref<512x512xf32, #tpu.memory_space<vmem>>, vector<512x512xf32>
    %dot_general3A_32 = arith.constant dense<0.000000e+00> : vector<512x512xf32>
    %dot_general3A_33 = tpu.matmul %get3A_31, %mul3A_21, %dot_general3A_32 {dimension_numbers = #tpu.dot_dimension_numbers<[1], [0], [0], [1], [0, 0, 1, 1], [], []>, precision = #tpu.contract_precision<fp32>, transpose_lhs_hint = false} : vector<512x512xf32>, vector<512x512xf32>, vector<512x512xf32> -> vector<512x512xf32>
    %sub3A_34 = arith.subf %dot_general3A_28, %dot_general3A_33 : vector<512x512xf32>
    %add3A_35 = arith.addf %get3A_24, %sub3A_34 : vector<512x512xf32>
    %swap3A = arith.constant 0 : index
    %swap3A_36 = arith.constant 0 : index
    %swap3A_37 = vector.load %arg9[%swap3A, %swap3A_36] : memref<512x512xf32, #tpu.memory_space<vmem>>, vector<512x512xf32>
    tpu.vector_store %arg9[%swap3A, %swap3A_36], %add3A_35 {strides = array<i32>} : memref<512x512xf32, #tpu.memory_space<vmem>>, vector<512x512xf32>,
    return
  }
  func.func @transform_0(%arg0: i32, %arg1: i32, %arg2: i32) -> (i32, i32) {
    %c0_i32 = arith.constant 0 : i32
    return %arg0, %arg2 : i32, i32
  }
  func.func @transform_1(%arg0: i32, %arg1: i32, %arg2: i32) -> (i32, i32) {
    %c0_i32 = arith.constant 0 : i32
    return %arg0, %arg2 : i32, i32
  }
  func.func @transform_2(%arg0: i32, %arg1: i32, %arg2: i32) -> (i32, i32) {
    %c0_i32 = arith.constant 0 : i32
    return %arg2, %arg1 : i32, i32
  }
  func.func @transform_3(%arg0: i32, %arg1: i32, %arg2: i32) -> (i32, i32) {
    %c0_i32 = arith.constant 0 : i32
    return %arg2, %arg1 : i32, i32
  }
  func.func @transform_4(%arg0: i32, %arg1: i32, %arg2: i32) -> (i32, i32) {
    %c0_i32 = arith.constant 0 : i32
    return %arg2, %arg1 : i32, i32
  }
  func.func @transform_5(%arg0: i32, %arg1: i32, %arg2: i32) -> (i32, i32) {
    %c0_i32 = arith.constant 0 : i32
    return %arg2, %arg1 : i32, i32
  }
  func.func @transform_6(%arg0: i32, %arg1: i32, %arg2: i32) -> (i32, i32) {
    %c0_i32 = arith.constant 0 : i32
    return %arg0, %arg1 : i32, i32
  }
}

module attributes {stable_mosaic.version = 14 : i64} {
  func.func @_topk_kernel(%arg0: i32, %arg1: memref<4096x256xf32, #tpu.memory_space<vmem>>, %arg2: memref<16x256xf32, #tpu.memory_space<vmem>>, %arg3: memref<16x256xi32, #tpu.memory_space<vmem>>) attributes {dimension_semantics = [#tpu.dimension_semantics<arbitrary>], iteration_bounds = array<i64: 12>, scalar_prefetch = 0 : i64, scratch_operands = 0 : i64, tpu.core_type = #tpu.core_type<tc>, window_params = [{transform_indices = @transform_0, window_bounds = array<i64: 4096, 256>}, {transform_indices = @transform_1, window_bounds = array<i64: 16, 256>}, {transform_indices = @transform_2, window_bounds = array<i64: 16, 256>}]} {
    %get3A = arith.constant 0 : index
    %get3A_0 = arith.constant 0 : index
    %get3A_1 = vector.load %arg1[%get3A, %get3A_0] : memref<4096x256xf32, #tpu.memory_space<vmem>>, vector<4096x256xf32>
    %iota3A = tpu.iota {dimensions = array<i32: 0>} : vector<4096x256xi32>
    %reduce_max3A = arith.constant dense<0xFF800000> : vector<256xf32>
    %reduce_max3A_2 = vector.multi_reduction <maximumf>, %get3A_1, %reduce_max3A [0] : vector<4096x256xf32> to vector<256xf32>
    %broadcast_in_dim3A = vector.shape_cast %reduce_max3A_2 : vector<256xf32> to vector<1x256xf32>
    %eq3A = vector.broadcast %broadcast_in_dim3A : vector<1x256xf32> to vector<4096x256xf32>
    %eq3A_3 = arith.cmpf oeq, %get3A_1, %eq3A : vector<4096x256xf32>
    %jit3A = arith.constant 4096 : i32
    %broadcast_in_dim3A_4 = vector.broadcast %jit3A : i32 to vector<4096x256xi32>
    %select_n3A = arith.select %eq3A_3, %iota3A, %broadcast_in_dim3A_4 : vector<4096x256xi1>, vector<4096x256xi32>
    %reduce_min3A = arith.constant dense<2147483647> : vector<256xi32>
    %reduce_min3A_5 = vector.multi_reduction <minsi>, %select_n3A, %reduce_min3A [0] : vector<4096x256xi32> to vector<256xi32>
    %broadcast_in_dim3A_6 = vector.shape_cast %reduce_min3A_5 : vector<256xi32> to vector<1x256xi32>
    %eq3A_7 = vector.broadcast %broadcast_in_dim3A_6 : vector<1x256xi32> to vector<4096x256xi32>
    %eq3A_8 = arith.cmpi eq, %iota3A, %eq3A_7 : vector<4096x256xi32>
    %jit3A_9 = arith.constant 0xFF800000 : f32
    %broadcast_in_dim3A_10 = vector.broadcast %jit3A_9 : f32 to vector<4096x256xf32>
    %select_n3A_11 = arith.select %eq3A_8, %broadcast_in_dim3A_10, %get3A_1 : vector<4096x256xi1>, vector<4096x256xf32>
    %reduce_max3A_12 = arith.constant dense<0xFF800000> : vector<256xf32>
    %reduce_max3A_13 = vector.multi_reduction <maximumf>, %select_n3A_11, %reduce_max3A_12 [0] : vector<4096x256xf32> to vector<256xf32>
    %broadcast_in_dim3A_14 = vector.shape_cast %reduce_max3A_13 : vector<256xf32> to vector<1x256xf32>
    %eq3A_15 = vector.broadcast %broadcast_in_dim3A_14 : vector<1x256xf32> to vector<4096x256xf32>
    %eq3A_16 = arith.cmpf oeq, %select_n3A_11, %eq3A_15 : vector<4096x256xf32>
    %jit3A_17 = arith.constant 4096 : i32
    %broadcast_in_dim3A_18 = vector.broadcast %jit3A_17 : i32 to vector<4096x256xi32>
    %select_n3A_19 = arith.select %eq3A_16, %iota3A, %broadcast_in_dim3A_18 : vector<4096x256xi1>, vector<4096x256xi32>
    %reduce_min3A_20 = arith.constant dense<2147483647> : vector<256xi32>
    %reduce_min3A_21 = vector.multi_reduction <minsi>, %select_n3A_19, %reduce_min3A_20 [0] : vector<4096x256xi32> to vector<256xi32>
    %broadcast_in_dim3A_22 = vector.shape_cast %reduce_min3A_21 : vector<256xi32> to vector<1x256xi32>
    %eq3A_23 = vector.broadcast %broadcast_in_dim3A_22 : vector<1x256xi32> to vector<4096x256xi32>
    %eq3A_24 = arith.cmpi eq, %iota3A, %eq3A_23 : vector<4096x256xi32>
    %jit3A_25 = arith.constant 0xFF800000 : f32
    %broadcast_in_dim3A_26 = vector.broadcast %jit3A_25 : f32 to vector<4096x256xf32>
    %select_n3A_27 = arith.select %eq3A_24, %broadcast_in_dim3A_26, %select_n3A_11 : vector<4096x256xi1>, vector<4096x256xf32>
    %reduce_max3A_28 = arith.constant dense<0xFF800000> : vector<256xf32>
    %reduce_max3A_29 = vector.multi_reduction <maximumf>, %select_n3A_27, %reduce_max3A_28 [0] : vector<4096x256xf32> to vector<256xf32>
    %broadcast_in_dim3A_30 = vector.shape_cast %reduce_max3A_29 : vector<256xf32> to vector<1x256xf32>
    %eq3A_31 = vector.broadcast %broadcast_in_dim3A_30 : vector<1x256xf32> to vector<4096x256xf32>
    %eq3A_32 = arith.cmpf oeq, %select_n3A_27, %eq3A_31 : vector<4096x256xf32>
    %jit3A_33 = arith.constant 4096 : i32
    %broadcast_in_dim3A_34 = vector.broadcast %jit3A_33 : i32 to vector<4096x256xi32>
    %select_n3A_35 = arith.select %eq3A_32, %iota3A, %broadcast_in_dim3A_34 : vector<4096x256xi1>, vector<4096x256xi32>
    %reduce_min3A_36 = arith.constant dense<2147483647> : vector<256xi32>
    %reduce_min3A_37 = vector.multi_reduction <minsi>, %select_n3A_35, %reduce_min3A_36 [0] : vector<4096x256xi32> to vector<256xi32>
    %broadcast_in_dim3A_38 = vector.shape_cast %reduce_min3A_37 : vector<256xi32> to vector<1x256xi32>
    %eq3A_39 = vector.broadcast %broadcast_in_dim3A_38 : vector<1x256xi32> to vector<4096x256xi32>
    %eq3A_40 = arith.cmpi eq, %iota3A, %eq3A_39 : vector<4096x256xi32>
    %jit3A_41 = arith.constant 0xFF800000 : f32
    %broadcast_in_dim3A_42 = vector.broadcast %jit3A_41 : f32 to vector<4096x256xf32>
    %select_n3A_43 = arith.select %eq3A_40, %broadcast_in_dim3A_42, %select_n3A_27 : vector<4096x256xi1>, vector<4096x256xf32>
    %reduce_max3A_44 = arith.constant dense<0xFF800000> : vector<256xf32>
    %reduce_max3A_45 = vector.multi_reduction <maximumf>, %select_n3A_43, %reduce_max3A_44 [0] : vector<4096x256xf32> to vector<256xf32>
    %broadcast_in_dim3A_46 = vector.shape_cast %reduce_max3A_45 : vector<256xf32> to vector<1x256xf32>
    %eq3A_47 = vector.broadcast %broadcast_in_dim3A_46 : vector<1x256xf32> to vector<4096x256xf32>
    %eq3A_48 = arith.cmpf oeq, %select_n3A_43, %eq3A_47 : vector<4096x256xf32>
    %jit3A_49 = arith.constant 4096 : i32
    %broadcast_in_dim3A_50 = vector.broadcast %jit3A_49 : i32 to vector<4096x256xi32>
    %select_n3A_51 = arith.select %eq3A_48, %iota3A, %broadcast_in_dim3A_50 : vector<4096x256xi1>, vector<4096x256xi32>
    %reduce_min3A_52 = arith.constant dense<2147483647> : vector<256xi32>
    %reduce_min3A_53 = vector.multi_reduction <minsi>, %select_n3A_51, %reduce_min3A_52 [0] : vector<4096x256xi32> to vector<256xi32>
    %broadcast_in_dim3A_54 = vector.shape_cast %reduce_min3A_53 : vector<256xi32> to vector<1x256xi32>
    %eq3A_55 = vector.broadcast %broadcast_in_dim3A_54 : vector<1x256xi32> to vector<4096x256xi32>
    %eq3A_56 = arith.cmpi eq, %iota3A, %eq3A_55 : vector<4096x256xi32>
    %jit3A_57 = arith.constant 0xFF800000 : f32
    %broadcast_in_dim3A_58 = vector.broadcast %jit3A_57 : f32 to vector<4096x256xf32>
    %select_n3A_59 = arith.select %eq3A_56, %broadcast_in_dim3A_58, %select_n3A_43 : vector<4096x256xi1>, vector<4096x256xf32>
    %reduce_max3A_60 = arith.constant dense<0xFF800000> : vector<256xf32>
    %reduce_max3A_61 = vector.multi_reduction <maximumf>, %select_n3A_59, %reduce_max3A_60 [0] : vector<4096x256xf32> to vector<256xf32>
    %broadcast_in_dim3A_62 = vector.shape_cast %reduce_max3A_61 : vector<256xf32> to vector<1x256xf32>
    %eq3A_63 = vector.broadcast %broadcast_in_dim3A_62 : vector<1x256xf32> to vector<4096x256xf32>
    %eq3A_64 = arith.cmpf oeq, %select_n3A_59, %eq3A_63 : vector<4096x256xf32>
    %jit3A_65 = arith.constant 4096 : i32
    %broadcast_in_dim3A_66 = vector.broadcast %jit3A_65 : i32 to vector<4096x256xi32>
    %select_n3A_67 = arith.select %eq3A_64, %iota3A, %broadcast_in_dim3A_66 : vector<4096x256xi1>, vector<4096x256xi32>
    %reduce_min3A_68 = arith.constant dense<2147483647> : vector<256xi32>
    %reduce_min3A_69 = vector.multi_reduction <minsi>, %select_n3A_67, %reduce_min3A_68 [0] : vector<4096x256xi32> to vector<256xi32>
    %broadcast_in_dim3A_70 = vector.shape_cast %reduce_min3A_69 : vector<256xi32> to vector<1x256xi32>
    %eq3A_71 = vector.broadcast %broadcast_in_dim3A_70 : vector<1x256xi32> to vector<4096x256xi32>
    %eq3A_72 = arith.cmpi eq, %iota3A, %eq3A_71 : vector<4096x256xi32>
    %jit3A_73 = arith.constant 0xFF800000 : f32
    %broadcast_in_dim3A_74 = vector.broadcast %jit3A_73 : f32 to vector<4096x256xf32>
    %select_n3A_75 = arith.select %eq3A_72, %broadcast_in_dim3A_74, %select_n3A_59 : vector<4096x256xi1>, vector<4096x256xf32>
    %reduce_max3A_76 = arith.constant dense<0xFF800000> : vector<256xf32>
    %reduce_max3A_77 = vector.multi_reduction <maximumf>, %select_n3A_75, %reduce_max3A_76 [0] : vector<4096x256xf32> to vector<256xf32>
    %broadcast_in_dim3A_78 = vector.shape_cast %reduce_max3A_77 : vector<256xf32> to vector<1x256xf32>
    %eq3A_79 = vector.broadcast %broadcast_in_dim3A_78 : vector<1x256xf32> to vector<4096x256xf32>
    %eq3A_80 = arith.cmpf oeq, %select_n3A_75, %eq3A_79 : vector<4096x256xf32>
    %jit3A_81 = arith.constant 4096 : i32
    %broadcast_in_dim3A_82 = vector.broadcast %jit3A_81 : i32 to vector<4096x256xi32>
    %select_n3A_83 = arith.select %eq3A_80, %iota3A, %broadcast_in_dim3A_82 : vector<4096x256xi1>, vector<4096x256xi32>
    %reduce_min3A_84 = arith.constant dense<2147483647> : vector<256xi32>
    %reduce_min3A_85 = vector.multi_reduction <minsi>, %select_n3A_83, %reduce_min3A_84 [0] : vector<4096x256xi32> to vector<256xi32>
    %broadcast_in_dim3A_86 = vector.shape_cast %reduce_min3A_85 : vector<256xi32> to vector<1x256xi32>
    %eq3A_87 = vector.broadcast %broadcast_in_dim3A_86 : vector<1x256xi32> to vector<4096x256xi32>
    %eq3A_88 = arith.cmpi eq, %iota3A, %eq3A_87 : vector<4096x256xi32>
    %jit3A_89 = arith.constant 0xFF800000 : f32
    %broadcast_in_dim3A_90 = vector.broadcast %jit3A_89 : f32 to vector<4096x256xf32>
    %select_n3A_91 = arith.select %eq3A_88, %broadcast_in_dim3A_90, %select_n3A_75 : vector<4096x256xi1>, vector<4096x256xf32>
    %reduce_max3A_92 = arith.constant dense<0xFF800000> : vector<256xf32>
    %reduce_max3A_93 = vector.multi_reduction <maximumf>, %select_n3A_91, %reduce_max3A_92 [0] : vector<4096x256xf32> to vector<256xf32>
    %broadcast_in_dim3A_94 = vector.shape_cast %reduce_max3A_93 : vector<256xf32> to vector<1x256xf32>
    %eq3A_95 = vector.broadcast %broadcast_in_dim3A_94 : vector<1x256xf32> to vector<4096x256xf32>
    %eq3A_96 = arith.cmpf oeq, %select_n3A_91, %eq3A_95 : vector<4096x256xf32>
    %jit3A_97 = arith.constant 4096 : i32
    %broadcast_in_dim3A_98 = vector.broadcast %jit3A_97 : i32 to vector<4096x256xi32>
    %select_n3A_99 = arith.select %eq3A_96, %iota3A, %broadcast_in_dim3A_98 : vector<4096x256xi1>, vector<4096x256xi32>
    %reduce_min3A_100 = arith.constant dense<2147483647> : vector<256xi32>
    %reduce_min3A_101 = vector.multi_reduction <minsi>, %select_n3A_99, %reduce_min3A_100 [0] : vector<4096x256xi32> to vector<256xi32>
    %broadcast_in_dim3A_102 = vector.shape_cast %reduce_min3A_101 : vector<256xi32> to vector<1x256xi32>
    %eq3A_103 = vector.broadcast %broadcast_in_dim3A_102 : vector<1x256xi32> to vector<4096x256xi32>
    %eq3A_104 = arith.cmpi eq, %iota3A, %eq3A_103 : vector<4096x256xi32>
    %jit3A_105 = arith.constant 0xFF800000 : f32
    %broadcast_in_dim3A_106 = vector.broadcast %jit3A_105 : f32 to vector<4096x256xf32>
    %select_n3A_107 = arith.select %eq3A_104, %broadcast_in_dim3A_106, %select_n3A_91 : vector<4096x256xi1>, vector<4096x256xf32>
    %reduce_max3A_108 = arith.constant dense<0xFF800000> : vector<256xf32>
    %reduce_max3A_109 = vector.multi_reduction <maximumf>, %select_n3A_107, %reduce_max3A_108 [0] : vector<4096x256xf32> to vector<256xf32>
    %broadcast_in_dim3A_110 = vector.shape_cast %reduce_max3A_109 : vector<256xf32> to vector<1x256xf32>
    %eq3A_111 = vector.broadcast %broadcast_in_dim3A_110 : vector<1x256xf32> to vector<4096x256xf32>
    %eq3A_112 = arith.cmpf oeq, %select_n3A_107, %eq3A_111 : vector<4096x256xf32>
    %jit3A_113 = arith.constant 4096 : i32
    %broadcast_in_dim3A_114 = vector.broadcast %jit3A_113 : i32 to vector<4096x256xi32>
    %select_n3A_115 = arith.select %eq3A_112, %iota3A, %broadcast_in_dim3A_114 : vector<4096x256xi1>, vector<4096x256xi32>
    %reduce_min3A_116 = arith.constant dense<2147483647> : vector<256xi32>
    %reduce_min3A_117 = vector.multi_reduction <minsi>, %select_n3A_115, %reduce_min3A_116 [0] : vector<4096x256xi32> to vector<256xi32>
    %broadcast_in_dim3A_118 = vector.shape_cast %reduce_min3A_117 : vector<256xi32> to vector<1x256xi32>
    %eq3A_119 = vector.broadcast %broadcast_in_dim3A_118 : vector<1x256xi32> to vector<4096x256xi32>
    %eq3A_120 = arith.cmpi eq, %iota3A, %eq3A_119 : vector<4096x256xi32>
    %jit3A_121 = arith.constant 0xFF800000 : f32
    %broadcast_in_dim3A_122 = vector.broadcast %jit3A_121 : f32 to vector<4096x256xf32>
    %select_n3A_123 = arith.select %eq3A_120, %broadcast_in_dim3A_122, %select_n3A_107 : vector<4096x256xi1>, vector<4096x256xf32>
    %reduce_max3A_124 = arith.constant dense<0xFF800000> : vector<256xf32>
    %reduce_max3A_125 = vector.multi_reduction <maximumf>, %select_n3A_123, %reduce_max3A_124 [0] : vector<4096x256xf32> to vector<256xf32>
    %broadcast_in_dim3A_126 = vector.shape_cast %reduce_max3A_125 : vector<256xf32> to vector<1x256xf32>
    %eq3A_127 = vector.broadcast %broadcast_in_dim3A_126 : vector<1x256xf32> to vector<4096x256xf32>
    %eq3A_128 = arith.cmpf oeq, %select_n3A_123, %eq3A_127 : vector<4096x256xf32>
    %jit3A_129 = arith.constant 4096 : i32
    %broadcast_in_dim3A_130 = vector.broadcast %jit3A_129 : i32 to vector<4096x256xi32>
    %select_n3A_131 = arith.select %eq3A_128, %iota3A, %broadcast_in_dim3A_130 : vector<4096x256xi1>, vector<4096x256xi32>
    %reduce_min3A_132 = arith.constant dense<2147483647> : vector<256xi32>
    %reduce_min3A_133 = vector.multi_reduction <minsi>, %select_n3A_131, %reduce_min3A_132 [0] : vector<4096x256xi32> to vector<256xi32>
    %broadcast_in_dim3A_134 = vector.shape_cast %reduce_min3A_133 : vector<256xi32> to vector<1x256xi32>
    %eq3A_135 = vector.broadcast %broadcast_in_dim3A_134 : vector<1x256xi32> to vector<4096x256xi32>
    %eq3A_136 = arith.cmpi eq, %iota3A, %eq3A_135 : vector<4096x256xi32>
    %jit3A_137 = arith.constant 0xFF800000 : f32
    %broadcast_in_dim3A_138 = vector.broadcast %jit3A_137 : f32 to vector<4096x256xf32>
    %select_n3A_139 = arith.select %eq3A_136, %broadcast_in_dim3A_138, %select_n3A_123 : vector<4096x256xi1>, vector<4096x256xf32>
    %reduce_max3A_140 = arith.constant dense<0xFF800000> : vector<256xf32>
    %reduce_max3A_141 = vector.multi_reduction <maximumf>, %select_n3A_139, %reduce_max3A_140 [0] : vector<4096x256xf32> to vector<256xf32>
    %broadcast_in_dim3A_142 = vector.shape_cast %reduce_max3A_141 : vector<256xf32> to vector<1x256xf32>
    %eq3A_143 = vector.broadcast %broadcast_in_dim3A_142 : vector<1x256xf32> to vector<4096x256xf32>
    %eq3A_144 = arith.cmpf oeq, %select_n3A_139, %eq3A_143 : vector<4096x256xf32>
    %jit3A_145 = arith.constant 4096 : i32
    %broadcast_in_dim3A_146 = vector.broadcast %jit3A_145 : i32 to vector<4096x256xi32>
    %select_n3A_147 = arith.select %eq3A_144, %iota3A, %broadcast_in_dim3A_146 : vector<4096x256xi1>, vector<4096x256xi32>
    %reduce_min3A_148 = arith.constant dense<2147483647> : vector<256xi32>
    %reduce_min3A_149 = vector.multi_reduction <minsi>, %select_n3A_147, %reduce_min3A_148 [0] : vector<4096x256xi32> to vector<256xi32>
    %broadcast_in_dim3A_150 = vector.shape_cast %reduce_min3A_149 : vector<256xi32> to vector<1x256xi32>
    %eq3A_151 = vector.broadcast %broadcast_in_dim3A_150 : vector<1x256xi32> to vector<4096x256xi32>
    %eq3A_152 = arith.cmpi eq, %iota3A, %eq3A_151 : vector<4096x256xi32>
    %jit3A_153 = arith.constant 0xFF800000 : f32
    %broadcast_in_dim3A_154 = vector.broadcast %jit3A_153 : f32 to vector<4096x256xf32>
    %select_n3A_155 = arith.select %eq3A_152, %broadcast_in_dim3A_154, %select_n3A_139 : vector<4096x256xi1>, vector<4096x256xf32>
    %reduce_max3A_156 = arith.constant dense<0xFF800000> : vector<256xf32>
    %reduce_max3A_157 = vector.multi_reduction <maximumf>, %select_n3A_155, %reduce_max3A_156 [0] : vector<4096x256xf32> to vector<256xf32>
    %broadcast_in_dim3A_158 = vector.shape_cast %reduce_max3A_157 : vector<256xf32> to vector<1x256xf32>
    %eq3A_159 = vector.broadcast %broadcast_in_dim3A_158 : vector<1x256xf32> to vector<4096x256xf32>
    %eq3A_160 = arith.cmpf oeq, %select_n3A_155, %eq3A_159 : vector<4096x256xf32>
    %jit3A_161 = arith.constant 4096 : i32
    %broadcast_in_dim3A_162 = vector.broadcast %jit3A_161 : i32 to vector<4096x256xi32>
    %select_n3A_163 = arith.select %eq3A_160, %iota3A, %broadcast_in_dim3A_162 : vector<4096x256xi1>, vector<4096x256xi32>
    %reduce_min3A_164 = arith.constant dense<2147483647> : vector<256xi32>
    %reduce_min3A_165 = vector.multi_reduction <minsi>, %select_n3A_163, %reduce_min3A_164 [0] : vector<4096x256xi32> to vector<256xi32>
    %broadcast_in_dim3A_166 = vector.shape_cast %reduce_min3A_165 : vector<256xi32> to vector<1x256xi32>
    %eq3A_167 = vector.broadcast %broadcast_in_dim3A_166 : vector<1x256xi32> to vector<4096x256xi32>
    %eq3A_168 = arith.cmpi eq, %iota3A, %eq3A_167 : vector<4096x256xi32>
    %jit3A_169 = arith.constant 0xFF800000 : f32
    %broadcast_in_dim3A_170 = vector.broadcast %jit3A_169 : f32 to vector<4096x256xf32>
    %select_n3A_171 = arith.select %eq3A_168, %broadcast_in_dim3A_170, %select_n3A_155 : vector<4096x256xi1>, vector<4096x256xf32>
    %reduce_max3A_172 = arith.constant dense<0xFF800000> : vector<256xf32>
    %reduce_max3A_173 = vector.multi_reduction <maximumf>, %select_n3A_171, %reduce_max3A_172 [0] : vector<4096x256xf32> to vector<256xf32>
    %broadcast_in_dim3A_174 = vector.shape_cast %reduce_max3A_173 : vector<256xf32> to vector<1x256xf32>
    %eq3A_175 = vector.broadcast %broadcast_in_dim3A_174 : vector<1x256xf32> to vector<4096x256xf32>
    %eq3A_176 = arith.cmpf oeq, %select_n3A_171, %eq3A_175 : vector<4096x256xf32>
    %jit3A_177 = arith.constant 4096 : i32
    %broadcast_in_dim3A_178 = vector.broadcast %jit3A_177 : i32 to vector<4096x256xi32>
    %select_n3A_179 = arith.select %eq3A_176, %iota3A, %broadcast_in_dim3A_178 : vector<4096x256xi1>, vector<4096x256xi32>
    %reduce_min3A_180 = arith.constant dense<2147483647> : vector<256xi32>
    %reduce_min3A_181 = vector.multi_reduction <minsi>, %select_n3A_179, %reduce_min3A_180 [0] : vector<4096x256xi32> to vector<256xi32>
    %broadcast_in_dim3A_182 = vector.shape_cast %reduce_min3A_181 : vector<256xi32> to vector<1x256xi32>
    %eq3A_183 = vector.broadcast %broadcast_in_dim3A_182 : vector<1x256xi32> to vector<4096x256xi32>
    %eq3A_184 = arith.cmpi eq, %iota3A, %eq3A_183 : vector<4096x256xi32>
    %jit3A_185 = arith.constant 0xFF800000 : f32
    %broadcast_in_dim3A_186 = vector.broadcast %jit3A_185 : f32 to vector<4096x256xf32>
    %select_n3A_187 = arith.select %eq3A_184, %broadcast_in_dim3A_186, %select_n3A_171 : vector<4096x256xi1>, vector<4096x256xf32>
    %reduce_max3A_188 = arith.constant dense<0xFF800000> : vector<256xf32>
    %reduce_max3A_189 = vector.multi_reduction <maximumf>, %select_n3A_187, %reduce_max3A_188 [0] : vector<4096x256xf32> to vector<256xf32>
    %broadcast_in_dim3A_190 = vector.shape_cast %reduce_max3A_189 : vector<256xf32> to vector<1x256xf32>
    %eq3A_191 = vector.broadcast %broadcast_in_dim3A_190 : vector<1x256xf32> to vector<4096x256xf32>
    %eq3A_192 = arith.cmpf oeq, %select_n3A_187, %eq3A_191 : vector<4096x256xf32>
    %jit3A_193 = arith.constant 4096 : i32
    %broadcast_in_dim3A_194 = vector.broadcast %jit3A_193 : i32 to vector<4096x256xi32>
    %select_n3A_195 = arith.select %eq3A_192, %iota3A, %broadcast_in_dim3A_194 : vector<4096x256xi1>, vector<4096x256xi32>
    %reduce_min3A_196 = arith.constant dense<2147483647> : vector<256xi32>
    %reduce_min3A_197 = vector.multi_reduction <minsi>, %select_n3A_195, %reduce_min3A_196 [0] : vector<4096x256xi32> to vector<256xi32>
    %broadcast_in_dim3A_198 = vector.shape_cast %reduce_min3A_197 : vector<256xi32> to vector<1x256xi32>
    %eq3A_199 = vector.broadcast %broadcast_in_dim3A_198 : vector<1x256xi32> to vector<4096x256xi32>
    %eq3A_200 = arith.cmpi eq, %iota3A, %eq3A_199 : vector<4096x256xi32>
    %jit3A_201 = arith.constant 0xFF800000 : f32
    %broadcast_in_dim3A_202 = vector.broadcast %jit3A_201 : f32 to vector<4096x256xf32>
    %select_n3A_203 = arith.select %eq3A_200, %broadcast_in_dim3A_202, %select_n3A_187 : vector<4096x256xi1>, vector<4096x256xf32>
    %reduce_max3A_204 = arith.constant dense<0xFF800000> : vector<256xf32>
    %reduce_max3A_205 = vector.multi_reduction <maximumf>, %select_n3A_203, %reduce_max3A_204 [0] : vector<4096x256xf32> to vector<256xf32>
    %broadcast_in_dim3A_206 = vector.shape_cast %reduce_max3A_205 : vector<256xf32> to vector<1x256xf32>
    %eq3A_207 = vector.broadcast %broadcast_in_dim3A_206 : vector<1x256xf32> to vector<4096x256xf32>
    %eq3A_208 = arith.cmpf oeq, %select_n3A_203, %eq3A_207 : vector<4096x256xf32>
    %jit3A_209 = arith.constant 4096 : i32
    %broadcast_in_dim3A_210 = vector.broadcast %jit3A_209 : i32 to vector<4096x256xi32>
    %select_n3A_211 = arith.select %eq3A_208, %iota3A, %broadcast_in_dim3A_210 : vector<4096x256xi1>, vector<4096x256xi32>
    %reduce_min3A_212 = arith.constant dense<2147483647> : vector<256xi32>
    %reduce_min3A_213 = vector.multi_reduction <minsi>, %select_n3A_211, %reduce_min3A_212 [0] : vector<4096x256xi32> to vector<256xi32>
    %broadcast_in_dim3A_214 = vector.shape_cast %reduce_min3A_213 : vector<256xi32> to vector<1x256xi32>
    %eq3A_215 = vector.broadcast %broadcast_in_dim3A_214 : vector<1x256xi32> to vector<4096x256xi32>
    %eq3A_216 = arith.cmpi eq, %iota3A, %eq3A_215 : vector<4096x256xi32>
    %jit3A_217 = arith.constant 0xFF800000 : f32
    %broadcast_in_dim3A_218 = vector.broadcast %jit3A_217 : f32 to vector<4096x256xf32>
    %select_n3A_219 = arith.select %eq3A_216, %broadcast_in_dim3A_218, %select_n3A_203 : vector<4096x256xi1>, vector<4096x256xf32>
    %reduce_max3A_220 = arith.constant dense<0xFF800000> : vector<256xf32>
    %reduce_max3A_221 = vector.multi_reduction <maximumf>, %select_n3A_219, %reduce_max3A_220 [0] : vector<4096x256xf32> to vector<256xf32>
    %broadcast_in_dim3A_222 = vector.shape_cast %reduce_max3A_221 : vector<256xf32> to vector<1x256xf32>
    %eq3A_223 = vector.broadcast %broadcast_in_dim3A_222 : vector<1x256xf32> to vector<4096x256xf32>
    %eq3A_224 = arith.cmpf oeq, %select_n3A_219, %eq3A_223 : vector<4096x256xf32>
    %jit3A_225 = arith.constant 4096 : i32
    %broadcast_in_dim3A_226 = vector.broadcast %jit3A_225 : i32 to vector<4096x256xi32>
    %select_n3A_227 = arith.select %eq3A_224, %iota3A, %broadcast_in_dim3A_226 : vector<4096x256xi1>, vector<4096x256xi32>
    %reduce_min3A_228 = arith.constant dense<2147483647> : vector<256xi32>
    %reduce_min3A_229 = vector.multi_reduction <minsi>, %select_n3A_227, %reduce_min3A_228 [0] : vector<4096x256xi32> to vector<256xi32>
    %broadcast_in_dim3A_230 = vector.shape_cast %reduce_min3A_229 : vector<256xi32> to vector<1x256xi32>
    %eq3A_231 = vector.broadcast %broadcast_in_dim3A_230 : vector<1x256xi32> to vector<4096x256xi32>
    %eq3A_232 = arith.cmpi eq, %iota3A, %eq3A_231 : vector<4096x256xi32>
    %jit3A_233 = arith.constant 0xFF800000 : f32
    %broadcast_in_dim3A_234 = vector.broadcast %jit3A_233 : f32 to vector<4096x256xf32>
    %select_n3A_235 = arith.select %eq3A_232, %broadcast_in_dim3A_234, %select_n3A_219 : vector<4096x256xi1>, vector<4096x256xf32>
    %reduce_max3A_236 = arith.constant dense<0xFF800000> : vector<256xf32>
    %reduce_max3A_237 = vector.multi_reduction <maximumf>, %select_n3A_235, %reduce_max3A_236 [0] : vector<4096x256xf32> to vector<256xf32>
    %broadcast_in_dim3A_238 = vector.shape_cast %reduce_max3A_237 : vector<256xf32> to vector<1x256xf32>
    %eq3A_239 = vector.broadcast %broadcast_in_dim3A_238 : vector<1x256xf32> to vector<4096x256xf32>
    %eq3A_240 = arith.cmpf oeq, %select_n3A_235, %eq3A_239 : vector<4096x256xf32>
    %jit3A_241 = arith.constant 4096 : i32
    %broadcast_in_dim3A_242 = vector.broadcast %jit3A_241 : i32 to vector<4096x256xi32>
    %select_n3A_243 = arith.select %eq3A_240, %iota3A, %broadcast_in_dim3A_242 : vector<4096x256xi1>, vector<4096x256xi32>
    %reduce_min3A_244 = arith.constant dense<2147483647> : vector<256xi32>
    %reduce_min3A_245 = vector.multi_reduction <minsi>, %select_n3A_243, %reduce_min3A_244 [0] : vector<4096x256xi32> to vector<256xi32>
    %broadcast_in_dim3A_246 = vector.shape_cast %reduce_min3A_245 : vector<256xi32> to vector<1x256xi32>
    %concatenate3A = tpu.concatenate %broadcast_in_dim3A, %broadcast_in_dim3A_14, %broadcast_in_dim3A_30, %broadcast_in_dim3A_46, %broadcast_in_dim3A_62, %broadcast_in_dim3A_78, %broadcast_in_dim3A_94, %broadcast_in_dim3A_110, %broadcast_in_dim3A_126, %broadcast_in_dim3A_142, %broadcast_in_dim3A_158, %broadcast_in_dim3A_174, %broadcast_in_dim3A_190, %broadcast_in_dim3A_206, %broadcast_in_dim3A_222, %broadcast_in_dim3A_238 in 0 : vector<1x256xf32>, vector<1x256xf32>, vector<1x256xf32>, vector<1x256xf32>, vector<1x256xf32>, vector<1x256xf32>, vector<1x256xf32>, vector<1x256xf32>, vector<1x256xf32>, vector<1x256xf32>, vector<1x256xf32>, vector<1x256xf32>, vector<1x256xf32>, vector<1x256xf32>, vector<1x256xf32>, vector<1x256xf32> -> vector<16x256xf32>
    %reduce_max3A_247 = arith.constant dense<0xFF800000> : vector<256xf32>
    %reduce_max3A_248 = vector.multi_reduction <maximumf>, %concatenate3A, %reduce_max3A_247 [0] : vector<16x256xf32> to vector<256xf32>
    %broadcast_in_dim3A_249 = vector.shape_cast %reduce_max3A_248 : vector<256xf32> to vector<1x256xf32>
    %sub3A = vector.broadcast %broadcast_in_dim3A_249 : vector<1x256xf32> to vector<16x256xf32>
    %sub3A_250 = arith.subf %concatenate3A, %sub3A : vector<16x256xf32>
    %exp3A = math.exp %sub3A_250 : vector<16x256xf32>
    %reduce_sum3A = arith.constant dense<0.000000e+00> : vector<256xf32>
    %reduce_sum3A_251 = vector.multi_reduction <add>, %exp3A, %reduce_sum3A [0] : vector<16x256xf32> to vector<256xf32>
    %broadcast_in_dim3A_252 = vector.shape_cast %reduce_sum3A_251 : vector<256xf32> to vector<1x256xf32>
    %div3A = vector.broadcast %broadcast_in_dim3A_252 : vector<1x256xf32> to vector<16x256xf32>
    %div3A_253 = arith.divf %exp3A, %div3A : vector<16x256xf32>
    %swap3A = arith.constant 0 : index
    %swap3A_254 = arith.constant 0 : index
    %swap3A_255 = vector.load %arg2[%swap3A, %swap3A_254] : memref<16x256xf32, #tpu.memory_space<vmem>>, vector<16x256xf32>
    tpu.vector_store %arg2[%swap3A, %swap3A_254], %div3A_253 {strides = array<i32>} : memref<16x256xf32, #tpu.memory_space<vmem>>, vector<16x256xf32>,
    %concatenate3A_256 = tpu.concatenate %broadcast_in_dim3A_6, %broadcast_in_dim3A_22, %broadcast_in_dim3A_38, %broadcast_in_dim3A_54, %broadcast_in_dim3A_70, %broadcast_in_dim3A_86, %broadcast_in_dim3A_102, %broadcast_in_dim3A_118, %broadcast_in_dim3A_134, %broadcast_in_dim3A_150, %broadcast_in_dim3A_166, %broadcast_in_dim3A_182, %broadcast_in_dim3A_198, %broadcast_in_dim3A_214, %broadcast_in_dim3A_230, %broadcast_in_dim3A_246 in 0 : vector<1x256xi32>, vector<1x256xi32>, vector<1x256xi32>, vector<1x256xi32>, vector<1x256xi32>, vector<1x256xi32>, vector<1x256xi32>, vector<1x256xi32>, vector<1x256xi32>, vector<1x256xi32>, vector<1x256xi32>, vector<1x256xi32>, vector<1x256xi32>, vector<1x256xi32>, vector<1x256xi32>, vector<1x256xi32> -> vector<16x256xi32>
    %swap3A_257 = arith.constant 0 : index
    %swap3A_258 = arith.constant 0 : index
    %swap3A_259 = vector.load %arg3[%swap3A_257, %swap3A_258] : memref<16x256xi32, #tpu.memory_space<vmem>>, vector<16x256xi32>
    tpu.vector_store %arg3[%swap3A_257, %swap3A_258], %concatenate3A_256 {strides = array<i32>} : memref<16x256xi32, #tpu.memory_space<vmem>>, vector<16x256xi32>,
    return
  }
  func.func @transform_0(%arg0: i32) -> (i32, i32) {
    %c0_i32 = arith.constant 0 : i32
    %c0_i32_0 = arith.constant 0 : i32
    return %c0_i32, %arg0 : i32, i32
  }
  func.func @transform_1(%arg0: i32) -> (i32, i32) {
    %c0_i32 = arith.constant 0 : i32
    %c0_i32_0 = arith.constant 0 : i32
    return %c0_i32, %arg0 : i32, i32
  }
  func.func @transform_2(%arg0: i32) -> (i32, i32) {
    %c0_i32 = arith.constant 0 : i32
    %c0_i32_0 = arith.constant 0 : i32
    return %c0_i32, %arg0 : i32, i32
  }
}

module attributes {stable_mosaic.version = 14 : i64} {
  func.func @_fwd_kernel(%arg0: i32, %arg1: i32, %arg2: i32, %arg3: memref<512x512xf32, #tpu.memory_space<vmem>>, %arg4: memref<512x512xf32, #tpu.memory_space<vmem>>, %arg5: memref<512x512xf32, #tpu.memory_space<vmem>>, %arg6: memref<512x512xf32, #tpu.memory_space<vmem>>, %arg7: memref<512x512xf32, #tpu.memory_space<vmem>>, %arg8: memref<512x512xf32, #tpu.memory_space<vmem>>, %arg9: memref<512x512xf32, #tpu.memory_space<vmem>>, %arg10: memref<512x512xf32, #tpu.memory_space<vmem>>) attributes {dimension_semantics = [#tpu.dimension_semantics<parallel>, #tpu.dimension_semantics<parallel>, #tpu.dimension_semantics<arbitrary>], iteration_bounds = array<i64: 8, 6, 8>, scalar_prefetch = 0 : i64, scratch_operands = 0 : i64, tpu.core_type = #tpu.core_type<tc>, window_params = [{transform_indices = @transform_0, window_bounds = array<i64: 512, 512>}, {transform_indices = @transform_1, window_bounds = array<i64: 512, 512>}, {transform_indices = @transform_2, window_bounds = array<i64: 512, 512>}, {transform_indices = @transform_3, window_bounds = array<i64: 512, 512>}, {transform_indices = @transform_4, window_bounds = array<i64: 512, 512>}, {transform_indices = @transform_5, window_bounds = array<i64: 512, 512>}, {transform_indices = @transform_6, window_bounds = array<i64: 512, 512>}, {transform_indices = @transform_7, window_bounds = array<i64: 512, 512>}]} {
    %eq3A = arith.constant 0 : i32
    %eq3A_0 = arith.cmpi eq, %arg2, %eq3A : i32
    %convert_element_type3A = arith.extui %eq3A_0 : i1 to i32
    %cond3A = arith.constant 0 : i32
    %cond3A_1 = arith.cmpi ne, %convert_element_type3A, %cond3A : i32
    scf.if %cond3A_1 {
      %broadcast_in_dim3A = arith.constant 0.000000e+00 : f32
      %broadcast_in_dim3A_46 = vector.broadcast %broadcast_in_dim3A : f32 to vector<512x512xf32>
      %swap3A_47 = arith.constant 0 : index
      %swap3A_48 = arith.constant 0 : index
      %swap3A_49 = vector.load %arg7[%swap3A_47, %swap3A_48] : memref<512x512xf32, #tpu.memory_space<vmem>>, vector<512x512xf32>
      tpu.vector_store %arg7[%swap3A_47, %swap3A_48], %broadcast_in_dim3A_46 {strides = array<i32>} : memref<512x512xf32, #tpu.memory_space<vmem>>, vector<512x512xf32>,
      %broadcast_in_dim3A_50 = arith.constant 0.000000e+00 : f32
      %broadcast_in_dim3A_51 = vector.broadcast %broadcast_in_dim3A_50 : f32 to vector<512x512xf32>
      %swap3A_52 = arith.constant 0 : index
      %swap3A_53 = arith.constant 0 : index
      %swap3A_54 = vector.load %arg8[%swap3A_52, %swap3A_53] : memref<512x512xf32, #tpu.memory_space<vmem>>, vector<512x512xf32>
      tpu.vector_store %arg8[%swap3A_52, %swap3A_53], %broadcast_in_dim3A_51 {strides = array<i32>} : memref<512x512xf32, #tpu.memory_space<vmem>>, vector<512x512xf32>,
      %broadcast_in_dim3A_55 = arith.constant 0.000000e+00 : f32
      %broadcast_in_dim3A_56 = vector.broadcast %broadcast_in_dim3A_55 : f32 to vector<512x512xf32>
      %swap3A_57 = arith.constant 0 : index
      %swap3A_58 = arith.constant 0 : index
      %swap3A_59 = vector.load %arg9[%swap3A_57, %swap3A_58] : memref<512x512xf32, #tpu.memory_space<vmem>>, vector<512x512xf32>
      tpu.vector_store %arg9[%swap3A_57, %swap3A_58], %broadcast_in_dim3A_56 {strides = array<i32>} : memref<512x512xf32, #tpu.memory_space<vmem>>, vector<512x512xf32>,
      %broadcast_in_dim3A_60 = arith.constant 0.000000e+00 : f32
      %broadcast_in_dim3A_61 = vector.broadcast %broadcast_in_dim3A_60 : f32 to vector<512x512xf32>
      %swap3A_62 = arith.constant 0 : index
      %swap3A_63 = arith.constant 0 : index
      %swap3A_64 = vector.load %arg10[%swap3A_62, %swap3A_63] : memref<512x512xf32, #tpu.memory_space<vmem>>, vector<512x512xf32>
      tpu.vector_store %arg10[%swap3A_62, %swap3A_63], %broadcast_in_dim3A_61 {strides = array<i32>} : memref<512x512xf32, #tpu.memory_space<vmem>>, vector<512x512xf32>,
    } else {
    }
    %get3A = arith.constant 0 : index
    %get3A_2 = arith.constant 0 : index
    %get3A_3 = vector.load %arg3[%get3A, %get3A_2] : memref<512x512xf32, #tpu.memory_space<vmem>>, vector<512x512xf32>
    %get3A_4 = arith.constant 0 : index
    %get3A_5 = arith.constant 0 : index
    %get3A_6 = vector.load %arg4[%get3A_4, %get3A_5] : memref<512x512xf32, #tpu.memory_space<vmem>>, vector<512x512xf32>
    %get3A_7 = arith.constant 0 : index
    %get3A_8 = arith.constant 0 : index
    %get3A_9 = vector.load %arg5[%get3A_7, %get3A_8] : memref<512x512xf32, #tpu.memory_space<vmem>>, vector<512x512xf32>
    %get3A_10 = arith.constant 0 : index
    %get3A_11 = arith.constant 0 : index
    %get3A_12 = vector.load %arg6[%get3A_10, %get3A_11] : memref<512x512xf32, #tpu.memory_space<vmem>>, vector<512x512xf32>
    %get3A_13 = arith.constant 0 : index
    %get3A_14 = arith.constant 0 : index
    %get3A_15 = vector.load %arg7[%get3A_13, %get3A_14] : memref<512x512xf32, #tpu.memory_space<vmem>>, vector<512x512xf32>
    %dot_general3A = arith.constant dense<0.000000e+00> : vector<512x512xf32>
    %dot_general3A_16 = tpu.matmul %get3A_3, %get3A_9, %dot_general3A {dimension_numbers = #tpu.dot_dimension_numbers<[1], [0], [0], [1], [0, 0, 1, 1], [], []>, precision = #tpu.contract_precision<fp32>, transpose_lhs_hint = false} : vector<512x512xf32>, vector<512x512xf32>, vector<512x512xf32> -> vector<512x512xf32>
    %add3A = arith.addf %get3A_15, %dot_general3A_16 : vector<512x512xf32>
    %swap3A = arith.constant 0 : index
    %swap3A_17 = arith.constant 0 : index
    %swap3A_18 = vector.load %arg7[%swap3A, %swap3A_17] : memref<512x512xf32, #tpu.memory_space<vmem>>, vector<512x512xf32>
    tpu.vector_store %arg7[%swap3A, %swap3A_17], %add3A {strides = array<i32>} : memref<512x512xf32, #tpu.memory_space<vmem>>, vector<512x512xf32>,
    %get3A_19 = arith.constant 0 : index
    %get3A_20 = arith.constant 0 : index
    %get3A_21 = vector.load %arg8[%get3A_19, %get3A_20] : memref<512x512xf32, #tpu.memory_space<vmem>>, vector<512x512xf32>
    %dot_general3A_22 = arith.constant dense<0.000000e+00> : vector<512x512xf32>
    %dot_general3A_23 = tpu.matmul %get3A_6, %get3A_9, %dot_general3A_22 {dimension_numbers = #tpu.dot_dimension_numbers<[1], [0], [0], [1], [0, 0, 1, 1], [], []>, precision = #tpu.contract_precision<fp32>, transpose_lhs_hint = false} : vector<512x512xf32>, vector<512x512xf32>, vector<512x512xf32> -> vector<512x512xf32>
    %add3A_24 = arith.addf %get3A_21, %dot_general3A_23 : vector<512x512xf32>
    %swap3A_25 = arith.constant 0 : index
    %swap3A_26 = arith.constant 0 : index
    %swap3A_27 = vector.load %arg8[%swap3A_25, %swap3A_26] : memref<512x512xf32, #tpu.memory_space<vmem>>, vector<512x512xf32>
    tpu.vector_store %arg8[%swap3A_25, %swap3A_26], %add3A_24 {strides = array<i32>} : memref<512x512xf32, #tpu.memory_space<vmem>>, vector<512x512xf32>,
    %get3A_28 = arith.constant 0 : index
    %get3A_29 = arith.constant 0 : index
    %get3A_30 = vector.load %arg9[%get3A_28, %get3A_29] : memref<512x512xf32, #tpu.memory_space<vmem>>, vector<512x512xf32>
    %dot_general3A_31 = arith.constant dense<0.000000e+00> : vector<512x512xf32>
    %dot_general3A_32 = tpu.matmul %get3A_3, %get3A_12, %dot_general3A_31 {dimension_numbers = #tpu.dot_dimension_numbers<[1], [0], [0], [1], [0, 0, 1, 1], [], []>, precision = #tpu.contract_precision<fp32>, transpose_lhs_hint = false} : vector<512x512xf32>, vector<512x512xf32>, vector<512x512xf32> -> vector<512x512xf32>
    %add3A_33 = arith.addf %get3A_30, %dot_general3A_32 : vector<512x512xf32>
    %swap3A_34 = arith.constant 0 : index
    %swap3A_35 = arith.constant 0 : index
    %swap3A_36 = vector.load %arg9[%swap3A_34, %swap3A_35] : memref<512x512xf32, #tpu.memory_space<vmem>>, vector<512x512xf32>
    tpu.vector_store %arg9[%swap3A_34, %swap3A_35], %add3A_33 {strides = array<i32>} : memref<512x512xf32, #tpu.memory_space<vmem>>, vector<512x512xf32>,
    %get3A_37 = arith.constant 0 : index
    %get3A_38 = arith.constant 0 : index
    %get3A_39 = vector.load %arg10[%get3A_37, %get3A_38] : memref<512x512xf32, #tpu.memory_space<vmem>>, vector<512x512xf32>
    %dot_general3A_40 = arith.constant dense<0.000000e+00> : vector<512x512xf32>
    %dot_general3A_41 = tpu.matmul %get3A_6, %get3A_12, %dot_general3A_40 {dimension_numbers = #tpu.dot_dimension_numbers<[1], [0], [0], [1], [0, 0, 1, 1], [], []>, precision = #tpu.contract_precision<fp32>, transpose_lhs_hint = false} : vector<512x512xf32>, vector<512x512xf32>, vector<512x512xf32> -> vector<512x512xf32>
    %add3A_42 = arith.addf %get3A_39, %dot_general3A_41 : vector<512x512xf32>
    %swap3A_43 = arith.constant 0 : index
    %swap3A_44 = arith.constant 0 : index
    %swap3A_45 = vector.load %arg10[%swap3A_43, %swap3A_44] : memref<512x512xf32, #tpu.memory_space<vmem>>, vector<512x512xf32>
    tpu.vector_store %arg10[%swap3A_43, %swap3A_44], %add3A_42 {strides = array<i32>} : memref<512x512xf32, #tpu.memory_space<vmem>>, vector<512x512xf32>,
    return
  }
  func.func @transform_0(%arg0: i32, %arg1: i32, %arg2: i32) -> (i32, i32) {
    %c0_i32 = arith.constant 0 : i32
    return %arg0, %arg2 : i32, i32
  }
  func.func @transform_1(%arg0: i32, %arg1: i32, %arg2: i32) -> (i32, i32) {
    %c0_i32 = arith.constant 0 : i32
    return %arg0, %arg2 : i32, i32
  }
  func.func @transform_2(%arg0: i32, %arg1: i32, %arg2: i32) -> (i32, i32) {
    %c0_i32 = arith.constant 0 : i32
    return %arg2, %arg1 : i32, i32
  }
  func.func @transform_3(%arg0: i32, %arg1: i32, %arg2: i32) -> (i32, i32) {
    %c0_i32 = arith.constant 0 : i32
    return %arg2, %arg1 : i32, i32
  }
  func.func @transform_4(%arg0: i32, %arg1: i32, %arg2: i32) -> (i32, i32) {
    %c0_i32 = arith.constant 0 : i32
    return %arg0, %arg1 : i32, i32
  }
  func.func @transform_5(%arg0: i32, %arg1: i32, %arg2: i32) -> (i32, i32) {
    %c0_i32 = arith.constant 0 : i32
    return %arg0, %arg1 : i32, i32
  }
  func.func @transform_6(%arg0: i32, %arg1: i32, %arg2: i32) -> (i32, i32) {
    %c0_i32 = arith.constant 0 : i32
    return %arg0, %arg1 : i32, i32
  }
  func.func @transform_7(%arg0: i32, %arg1: i32, %arg2: i32) -> (i32, i32) {
    %c0_i32 = arith.constant 0 : i32
    return %arg0, %arg1 : i32, i32
  }
}

module attributes {stable_mosaic.version = 14 : i64} {
  func.func @_gather_kernel(%arg0: i32, %arg1: i32, %arg2: memref<4096x256xf32, #tpu.memory_space<vmem>>, %arg3: memref<1x1x256xf32, #tpu.memory_space<vmem>>, %arg4: memref<1x1x256xi32, #tpu.memory_space<vmem>>, %arg5: memref<4096x256xf32, #tpu.memory_space<vmem>>) attributes {dimension_semantics = [#tpu.dimension_semantics<arbitrary>, #tpu.dimension_semantics<arbitrary>], iteration_bounds = array<i64: 12, 16>, scalar_prefetch = 0 : i64, scratch_operands = 0 : i64, tpu.core_type = #tpu.core_type<tc>, window_params = [{transform_indices = @transform_0, window_bounds = array<i64: 4096, 256>}, {transform_indices = @transform_1, window_bounds = array<i64: 1, 1, 256>}, {transform_indices = @transform_2, window_bounds = array<i64: 1, 1, 256>}, {transform_indices = @transform_3, window_bounds = array<i64: 4096, 256>}]} {
    %eq3A = arith.constant 0 : i32
    %eq3A_0 = arith.cmpi eq, %arg1, %eq3A : i32
    %convert_element_type3A = arith.extui %eq3A_0 : i1 to i32
    %cond3A = arith.constant 0 : i32
    %cond3A_1 = arith.cmpi ne, %convert_element_type3A, %cond3A : i32
    scf.if %cond3A_1 {
      %broadcast_in_dim3A_216 = arith.constant 0.000000e+00 : f32
      %broadcast_in_dim3A_217 = vector.broadcast %broadcast_in_dim3A_216 : f32 to vector<4096x256xf32>
      %swap3A_218 = arith.constant 0 : index
      %swap3A_219 = arith.constant 0 : index
      %swap3A_220 = vector.load %arg5[%swap3A_218, %swap3A_219] : memref<4096x256xf32, #tpu.memory_space<vmem>>, vector<4096x256xf32>
      tpu.vector_store %arg5[%swap3A_218, %swap3A_219], %broadcast_in_dim3A_217 {strides = array<i32>} : memref<4096x256xf32, #tpu.memory_space<vmem>>, vector<4096x256xf32>,
    } else {
    }
    %get3A = arith.constant 0 : index
    %get3A_2 = arith.constant 0 : index
    %get3A_3 = vector.load %arg2[%get3A, %get3A_2] : memref<4096x256xf32, #tpu.memory_space<vmem>>, vector<4096x256xf32>
    %get3A_4 = arith.constant 0 : index
    %get3A_5 = arith.constant 0 : index
    %get3A_6 = arith.constant 0 : index
    %get3A_7 = vector.load %arg4[%get3A_4, %get3A_5, %get3A_6] : memref<1x1x256xi32, #tpu.memory_space<vmem>>, vector<1x1x256xi32>
    %get3A_8 = vector.shape_cast %get3A_7 : vector<1x1x256xi32> to vector<1x256xi32>
    %slice3A = vector.extract_strided_slice %get3A_3 {offsets = [4095, 0], sizes = [1, 256], strides = [1, 1]} : vector<4096x256xf32> to vector<1x256xf32>
    %slice3A_9 = vector.extract_strided_slice %get3A_3 {offsets = [1, 0], sizes = [4095, 256], strides = [1, 1]} : vector<4096x256xf32> to vector<4095x256xf32>
    %concatenate3A = tpu.concatenate %slice3A_9, %slice3A in 0 : vector<4095x256xf32>, vector<1x256xf32> -> vector<4096x256xf32>
    %shift_right_arithmetic3A = arith.constant 0 : i32
    %shift_right_arithmetic3A_10 = vector.broadcast %shift_right_arithmetic3A : i32 to vector<1x256xi32>
    %shift_right_arithmetic3A_11 = arith.shrsi %get3A_8, %shift_right_arithmetic3A_10 : vector<1x256xi32>
    %and3A = arith.constant 1 : i32
    %and3A_12 = vector.broadcast %and3A : i32 to vector<1x256xi32>
    %and3A_13 = arith.andi %shift_right_arithmetic3A_11, %and3A_12 : vector<1x256xi32>
    %eq3A_14 = arith.constant 1 : i32
    %eq3A_15 = vector.broadcast %eq3A_14 : i32 to vector<1x256xi32>
    %eq3A_16 = arith.cmpi eq, %and3A_13, %eq3A_15 : vector<1x256xi32>
    %broadcast_in_dim3A = vector.shape_cast %eq3A_16 : vector<1x256xi1> to vector<1x256xi1>
    %broadcast_in_dim3A_17 = vector.broadcast %broadcast_in_dim3A : vector<1x256xi1> to vector<4096x256xi1>
    %select_n3A = arith.select %broadcast_in_dim3A_17, %concatenate3A, %get3A_3 : vector<4096x256xi1>, vector<4096x256xf32>
    %slice3A_18 = vector.extract_strided_slice %select_n3A {offsets = [4095, 0], sizes = [1, 256], strides = [1, 1]} : vector<4096x256xf32> to vector<1x256xf32>
    %broadcast_in_dim3A_19 = vector.shape_cast %slice3A_18 : vector<1x256xf32> to vector<1x256xf32>
    %broadcast_in_dim3A_20 = vector.broadcast %broadcast_in_dim3A_19 : vector<1x256xf32> to vector<2x256xf32>
    %slice3A_21 = vector.extract_strided_slice %select_n3A {offsets = [2, 0], sizes = [4094, 256], strides = [1, 1]} : vector<4096x256xf32> to vector<4094x256xf32>
    %concatenate3A_22 = tpu.concatenate %slice3A_21, %broadcast_in_dim3A_20 in 0 : vector<4094x256xf32>, vector<2x256xf32> -> vector<4096x256xf32>
    %shift_right_arithmetic3A_23 = arith.constant 1 : i32
    %shift_right_arithmetic3A_24 = vector.broadcast %shift_right_arithmetic3A_23 : i32 to vector<1x256xi32>
    %shift_right_arithmetic3A_25 = arith.shrsi %get3A_8, %shift_right_arithmetic3A_24 : vector<1x256xi32>
    %and3A_26 = arith.constant 1 : i32
    %and3A_27 = vector.broadcast %and3A_26 : i32 to vector<1x256xi32>
    %and3A_28 = arith.andi %shift_right_arithmetic3A_25, %and3A_27 : vector<1x256xi32>
    %eq3A_29 = arith.constant 1 : i32
    %eq3A_30 = vector.broadcast %eq3A_29 : i32 to vector<1x256xi32>
    %eq3A_31 = arith.cmpi eq, %and3A_28, %eq3A_30 : vector<1x256xi32>
    %broadcast_in_dim3A_32 = vector.shape_cast %eq3A_31 : vector<1x256xi1> to vector<1x256xi1>
    %broadcast_in_dim3A_33 = vector.broadcast %broadcast_in_dim3A_32 : vector<1x256xi1> to vector<4096x256xi1>
    %select_n3A_34 = arith.select %broadcast_in_dim3A_33, %concatenate3A_22, %select_n3A : vector<4096x256xi1>, vector<4096x256xf32>
    %slice3A_35 = vector.extract_strided_slice %select_n3A_34 {offsets = [4095, 0], sizes = [1, 256], strides = [1, 1]} : vector<4096x256xf32> to vector<1x256xf32>
    %broadcast_in_dim3A_36 = vector.shape_cast %slice3A_35 : vector<1x256xf32> to vector<1x256xf32>
    %broadcast_in_dim3A_37 = vector.broadcast %broadcast_in_dim3A_36 : vector<1x256xf32> to vector<4x256xf32>
    %slice3A_38 = vector.extract_strided_slice %select_n3A_34 {offsets = [4, 0], sizes = [4092, 256], strides = [1, 1]} : vector<4096x256xf32> to vector<4092x256xf32>
    %concatenate3A_39 = tpu.concatenate %slice3A_38, %broadcast_in_dim3A_37 in 0 : vector<4092x256xf32>, vector<4x256xf32> -> vector<4096x256xf32>
    %shift_right_arithmetic3A_40 = arith.constant 2 : i32
    %shift_right_arithmetic3A_41 = vector.broadcast %shift_right_arithmetic3A_40 : i32 to vector<1x256xi32>
    %shift_right_arithmetic3A_42 = arith.shrsi %get3A_8, %shift_right_arithmetic3A_41 : vector<1x256xi32>
    %and3A_43 = arith.constant 1 : i32
    %and3A_44 = vector.broadcast %and3A_43 : i32 to vector<1x256xi32>
    %and3A_45 = arith.andi %shift_right_arithmetic3A_42, %and3A_44 : vector<1x256xi32>
    %eq3A_46 = arith.constant 1 : i32
    %eq3A_47 = vector.broadcast %eq3A_46 : i32 to vector<1x256xi32>
    %eq3A_48 = arith.cmpi eq, %and3A_45, %eq3A_47 : vector<1x256xi32>
    %broadcast_in_dim3A_49 = vector.shape_cast %eq3A_48 : vector<1x256xi1> to vector<1x256xi1>
    %broadcast_in_dim3A_50 = vector.broadcast %broadcast_in_dim3A_49 : vector<1x256xi1> to vector<4096x256xi1>
    %select_n3A_51 = arith.select %broadcast_in_dim3A_50, %concatenate3A_39, %select_n3A_34 : vector<4096x256xi1>, vector<4096x256xf32>
    %slice3A_52 = vector.extract_strided_slice %select_n3A_51 {offsets = [4095, 0], sizes = [1, 256], strides = [1, 1]} : vector<4096x256xf32> to vector<1x256xf32>
    %broadcast_in_dim3A_53 = vector.shape_cast %slice3A_52 : vector<1x256xf32> to vector<1x256xf32>
    %broadcast_in_dim3A_54 = vector.broadcast %broadcast_in_dim3A_53 : vector<1x256xf32> to vector<8x256xf32>
    %slice3A_55 = vector.extract_strided_slice %select_n3A_51 {offsets = [8, 0], sizes = [4088, 256], strides = [1, 1]} : vector<4096x256xf32> to vector<4088x256xf32>
    %concatenate3A_56 = tpu.concatenate %slice3A_55, %broadcast_in_dim3A_54 in 0 : vector<4088x256xf32>, vector<8x256xf32> -> vector<4096x256xf32>
    %shift_right_arithmetic3A_57 = arith.constant 3 : i32
    %shift_right_arithmetic3A_58 = vector.broadcast %shift_right_arithmetic3A_57 : i32 to vector<1x256xi32>
    %shift_right_arithmetic3A_59 = arith.shrsi %get3A_8, %shift_right_arithmetic3A_58 : vector<1x256xi32>
    %and3A_60 = arith.constant 1 : i32
    %and3A_61 = vector.broadcast %and3A_60 : i32 to vector<1x256xi32>
    %and3A_62 = arith.andi %shift_right_arithmetic3A_59, %and3A_61 : vector<1x256xi32>
    %eq3A_63 = arith.constant 1 : i32
    %eq3A_64 = vector.broadcast %eq3A_63 : i32 to vector<1x256xi32>
    %eq3A_65 = arith.cmpi eq, %and3A_62, %eq3A_64 : vector<1x256xi32>
    %broadcast_in_dim3A_66 = vector.shape_cast %eq3A_65 : vector<1x256xi1> to vector<1x256xi1>
    %broadcast_in_dim3A_67 = vector.broadcast %broadcast_in_dim3A_66 : vector<1x256xi1> to vector<4096x256xi1>
    %select_n3A_68 = arith.select %broadcast_in_dim3A_67, %concatenate3A_56, %select_n3A_51 : vector<4096x256xi1>, vector<4096x256xf32>
    %slice3A_69 = vector.extract_strided_slice %select_n3A_68 {offsets = [4095, 0], sizes = [1, 256], strides = [1, 1]} : vector<4096x256xf32> to vector<1x256xf32>
    %broadcast_in_dim3A_70 = vector.shape_cast %slice3A_69 : vector<1x256xf32> to vector<1x256xf32>
    %broadcast_in_dim3A_71 = vector.broadcast %broadcast_in_dim3A_70 : vector<1x256xf32> to vector<16x256xf32>
    %slice3A_72 = vector.extract_strided_slice %select_n3A_68 {offsets = [16, 0], sizes = [4080, 256], strides = [1, 1]} : vector<4096x256xf32> to vector<4080x256xf32>
    %concatenate3A_73 = tpu.concatenate %slice3A_72, %broadcast_in_dim3A_71 in 0 : vector<4080x256xf32>, vector<16x256xf32> -> vector<4096x256xf32>
    %shift_right_arithmetic3A_74 = arith.constant 4 : i32
    %shift_right_arithmetic3A_75 = vector.broadcast %shift_right_arithmetic3A_74 : i32 to vector<1x256xi32>
    %shift_right_arithmetic3A_76 = arith.shrsi %get3A_8, %shift_right_arithmetic3A_75 : vector<1x256xi32>
    %and3A_77 = arith.constant 1 : i32
    %and3A_78 = vector.broadcast %and3A_77 : i32 to vector<1x256xi32>
    %and3A_79 = arith.andi %shift_right_arithmetic3A_76, %and3A_78 : vector<1x256xi32>
    %eq3A_80 = arith.constant 1 : i32
    %eq3A_81 = vector.broadcast %eq3A_80 : i32 to vector<1x256xi32>
    %eq3A_82 = arith.cmpi eq, %and3A_79, %eq3A_81 : vector<1x256xi32>
    %broadcast_in_dim3A_83 = vector.shape_cast %eq3A_82 : vector<1x256xi1> to vector<1x256xi1>
    %broadcast_in_dim3A_84 = vector.broadcast %broadcast_in_dim3A_83 : vector<1x256xi1> to vector<4096x256xi1>
    %select_n3A_85 = arith.select %broadcast_in_dim3A_84, %concatenate3A_73, %select_n3A_68 : vector<4096x256xi1>, vector<4096x256xf32>
    %slice3A_86 = vector.extract_strided_slice %select_n3A_85 {offsets = [4095, 0], sizes = [1, 256], strides = [1, 1]} : vector<4096x256xf32> to vector<1x256xf32>
    %broadcast_in_dim3A_87 = vector.shape_cast %slice3A_86 : vector<1x256xf32> to vector<1x256xf32>
    %broadcast_in_dim3A_88 = vector.broadcast %broadcast_in_dim3A_87 : vector<1x256xf32> to vector<32x256xf32>
    %slice3A_89 = vector.extract_strided_slice %select_n3A_85 {offsets = [32, 0], sizes = [4064, 256], strides = [1, 1]} : vector<4096x256xf32> to vector<4064x256xf32>
    %concatenate3A_90 = tpu.concatenate %slice3A_89, %broadcast_in_dim3A_88 in 0 : vector<4064x256xf32>, vector<32x256xf32> -> vector<4096x256xf32>
    %shift_right_arithmetic3A_91 = arith.constant 5 : i32
    %shift_right_arithmetic3A_92 = vector.broadcast %shift_right_arithmetic3A_91 : i32 to vector<1x256xi32>
    %shift_right_arithmetic3A_93 = arith.shrsi %get3A_8, %shift_right_arithmetic3A_92 : vector<1x256xi32>
    %and3A_94 = arith.constant 1 : i32
    %and3A_95 = vector.broadcast %and3A_94 : i32 to vector<1x256xi32>
    %and3A_96 = arith.andi %shift_right_arithmetic3A_93, %and3A_95 : vector<1x256xi32>
    %eq3A_97 = arith.constant 1 : i32
    %eq3A_98 = vector.broadcast %eq3A_97 : i32 to vector<1x256xi32>
    %eq3A_99 = arith.cmpi eq, %and3A_96, %eq3A_98 : vector<1x256xi32>
    %broadcast_in_dim3A_100 = vector.shape_cast %eq3A_99 : vector<1x256xi1> to vector<1x256xi1>
    %broadcast_in_dim3A_101 = vector.broadcast %broadcast_in_dim3A_100 : vector<1x256xi1> to vector<4096x256xi1>
    %select_n3A_102 = arith.select %broadcast_in_dim3A_101, %concatenate3A_90, %select_n3A_85 : vector<4096x256xi1>, vector<4096x256xf32>
    %slice3A_103 = vector.extract_strided_slice %select_n3A_102 {offsets = [4095, 0], sizes = [1, 256], strides = [1, 1]} : vector<4096x256xf32> to vector<1x256xf32>
    %broadcast_in_dim3A_104 = vector.shape_cast %slice3A_103 : vector<1x256xf32> to vector<1x256xf32>
    %broadcast_in_dim3A_105 = vector.broadcast %broadcast_in_dim3A_104 : vector<1x256xf32> to vector<64x256xf32>
    %slice3A_106 = vector.extract_strided_slice %select_n3A_102 {offsets = [64, 0], sizes = [4032, 256], strides = [1, 1]} : vector<4096x256xf32> to vector<4032x256xf32>
    %concatenate3A_107 = tpu.concatenate %slice3A_106, %broadcast_in_dim3A_105 in 0 : vector<4032x256xf32>, vector<64x256xf32> -> vector<4096x256xf32>
    %shift_right_arithmetic3A_108 = arith.constant 6 : i32
    %shift_right_arithmetic3A_109 = vector.broadcast %shift_right_arithmetic3A_108 : i32 to vector<1x256xi32>
    %shift_right_arithmetic3A_110 = arith.shrsi %get3A_8, %shift_right_arithmetic3A_109 : vector<1x256xi32>
    %and3A_111 = arith.constant 1 : i32
    %and3A_112 = vector.broadcast %and3A_111 : i32 to vector<1x256xi32>
    %and3A_113 = arith.andi %shift_right_arithmetic3A_110, %and3A_112 : vector<1x256xi32>
    %eq3A_114 = arith.constant 1 : i32
    %eq3A_115 = vector.broadcast %eq3A_114 : i32 to vector<1x256xi32>
    %eq3A_116 = arith.cmpi eq, %and3A_113, %eq3A_115 : vector<1x256xi32>
    %broadcast_in_dim3A_117 = vector.shape_cast %eq3A_116 : vector<1x256xi1> to vector<1x256xi1>
    %broadcast_in_dim3A_118 = vector.broadcast %broadcast_in_dim3A_117 : vector<1x256xi1> to vector<4096x256xi1>
    %select_n3A_119 = arith.select %broadcast_in_dim3A_118, %concatenate3A_107, %select_n3A_102 : vector<4096x256xi1>, vector<4096x256xf32>
    %slice3A_120 = vector.extract_strided_slice %select_n3A_119 {offsets = [4095, 0], sizes = [1, 256], strides = [1, 1]} : vector<4096x256xf32> to vector<1x256xf32>
    %broadcast_in_dim3A_121 = vector.shape_cast %slice3A_120 : vector<1x256xf32> to vector<1x256xf32>
    %broadcast_in_dim3A_122 = vector.broadcast %broadcast_in_dim3A_121 : vector<1x256xf32> to vector<128x256xf32>
    %slice3A_123 = vector.extract_strided_slice %select_n3A_119 {offsets = [128, 0], sizes = [3968, 256], strides = [1, 1]} : vector<4096x256xf32> to vector<3968x256xf32>
    %concatenate3A_124 = tpu.concatenate %slice3A_123, %broadcast_in_dim3A_122 in 0 : vector<3968x256xf32>, vector<128x256xf32> -> vector<4096x256xf32>
    %shift_right_arithmetic3A_125 = arith.constant 7 : i32
    %shift_right_arithmetic3A_126 = vector.broadcast %shift_right_arithmetic3A_125 : i32 to vector<1x256xi32>
    %shift_right_arithmetic3A_127 = arith.shrsi %get3A_8, %shift_right_arithmetic3A_126 : vector<1x256xi32>
    %and3A_128 = arith.constant 1 : i32
    %and3A_129 = vector.broadcast %and3A_128 : i32 to vector<1x256xi32>
    %and3A_130 = arith.andi %shift_right_arithmetic3A_127, %and3A_129 : vector<1x256xi32>
    %eq3A_131 = arith.constant 1 : i32
    %eq3A_132 = vector.broadcast %eq3A_131 : i32 to vector<1x256xi32>
    %eq3A_133 = arith.cmpi eq, %and3A_130, %eq3A_132 : vector<1x256xi32>
    %broadcast_in_dim3A_134 = vector.shape_cast %eq3A_133 : vector<1x256xi1> to vector<1x256xi1>
    %broadcast_in_dim3A_135 = vector.broadcast %broadcast_in_dim3A_134 : vector<1x256xi1> to vector<4096x256xi1>
    %select_n3A_136 = arith.select %broadcast_in_dim3A_135, %concatenate3A_124, %select_n3A_119 : vector<4096x256xi1>, vector<4096x256xf32>
    %slice3A_137 = vector.extract_strided_slice %select_n3A_136 {offsets = [4095, 0], sizes = [1, 256], strides = [1, 1]} : vector<4096x256xf32> to vector<1x256xf32>
    %broadcast_in_dim3A_138 = vector.shape_cast %slice3A_137 : vector<1x256xf32> to vector<1x256xf32>
    %broadcast_in_dim3A_139 = vector.broadcast %broadcast_in_dim3A_138 : vector<1x256xf32> to vector<256x256xf32>
    %slice3A_140 = vector.extract_strided_slice %select_n3A_136 {offsets = [256, 0], sizes = [3840, 256], strides = [1, 1]} : vector<4096x256xf32> to vector<3840x256xf32>
    %concatenate3A_141 = tpu.concatenate %slice3A_140, %broadcast_in_dim3A_139 in 0 : vector<3840x256xf32>, vector<256x256xf32> -> vector<4096x256xf32>
    %shift_right_arithmetic3A_142 = arith.constant 8 : i32
    %shift_right_arithmetic3A_143 = vector.broadcast %shift_right_arithmetic3A_142 : i32 to vector<1x256xi32>
    %shift_right_arithmetic3A_144 = arith.shrsi %get3A_8, %shift_right_arithmetic3A_143 : vector<1x256xi32>
    %and3A_145 = arith.constant 1 : i32
    %and3A_146 = vector.broadcast %and3A_145 : i32 to vector<1x256xi32>
    %and3A_147 = arith.andi %shift_right_arithmetic3A_144, %and3A_146 : vector<1x256xi32>
    %eq3A_148 = arith.constant 1 : i32
    %eq3A_149 = vector.broadcast %eq3A_148 : i32 to vector<1x256xi32>
    %eq3A_150 = arith.cmpi eq, %and3A_147, %eq3A_149 : vector<1x256xi32>
    %broadcast_in_dim3A_151 = vector.shape_cast %eq3A_150 : vector<1x256xi1> to vector<1x256xi1>
    %broadcast_in_dim3A_152 = vector.broadcast %broadcast_in_dim3A_151 : vector<1x256xi1> to vector<4096x256xi1>
    %select_n3A_153 = arith.select %broadcast_in_dim3A_152, %concatenate3A_141, %select_n3A_136 : vector<4096x256xi1>, vector<4096x256xf32>
    %slice3A_154 = vector.extract_strided_slice %select_n3A_153 {offsets = [4095, 0], sizes = [1, 256], strides = [1, 1]} : vector<4096x256xf32> to vector<1x256xf32>
    %broadcast_in_dim3A_155 = vector.shape_cast %slice3A_154 : vector<1x256xf32> to vector<1x256xf32>
    %broadcast_in_dim3A_156 = vector.broadcast %broadcast_in_dim3A_155 : vector<1x256xf32> to vector<512x256xf32>
    %slice3A_157 = vector.extract_strided_slice %select_n3A_153 {offsets = [512, 0], sizes = [3584, 256], strides = [1, 1]} : vector<4096x256xf32> to vector<3584x256xf32>
    %concatenate3A_158 = tpu.concatenate %slice3A_157, %broadcast_in_dim3A_156 in 0 : vector<3584x256xf32>, vector<512x256xf32> -> vector<4096x256xf32>
    %shift_right_arithmetic3A_159 = arith.constant 9 : i32
    %shift_right_arithmetic3A_160 = vector.broadcast %shift_right_arithmetic3A_159 : i32 to vector<1x256xi32>
    %shift_right_arithmetic3A_161 = arith.shrsi %get3A_8, %shift_right_arithmetic3A_160 : vector<1x256xi32>
    %and3A_162 = arith.constant 1 : i32
    %and3A_163 = vector.broadcast %and3A_162 : i32 to vector<1x256xi32>
    %and3A_164 = arith.andi %shift_right_arithmetic3A_161, %and3A_163 : vector<1x256xi32>
    %eq3A_165 = arith.constant 1 : i32
    %eq3A_166 = vector.broadcast %eq3A_165 : i32 to vector<1x256xi32>
    %eq3A_167 = arith.cmpi eq, %and3A_164, %eq3A_166 : vector<1x256xi32>
    %broadcast_in_dim3A_168 = vector.shape_cast %eq3A_167 : vector<1x256xi1> to vector<1x256xi1>
    %broadcast_in_dim3A_169 = vector.broadcast %broadcast_in_dim3A_168 : vector<1x256xi1> to vector<4096x256xi1>
    %select_n3A_170 = arith.select %broadcast_in_dim3A_169, %concatenate3A_158, %select_n3A_153 : vector<4096x256xi1>, vector<4096x256xf32>
    %slice3A_171 = vector.extract_strided_slice %select_n3A_170 {offsets = [4095, 0], sizes = [1, 256], strides = [1, 1]} : vector<4096x256xf32> to vector<1x256xf32>
    %broadcast_in_dim3A_172 = vector.shape_cast %slice3A_171 : vector<1x256xf32> to vector<1x256xf32>
    %broadcast_in_dim3A_173 = vector.broadcast %broadcast_in_dim3A_172 : vector<1x256xf32> to vector<1024x256xf32>
    %slice3A_174 = vector.extract_strided_slice %select_n3A_170 {offsets = [1024, 0], sizes = [3072, 256], strides = [1, 1]} : vector<4096x256xf32> to vector<3072x256xf32>
    %concatenate3A_175 = tpu.concatenate %slice3A_174, %broadcast_in_dim3A_173 in 0 : vector<3072x256xf32>, vector<1024x256xf32> -> vector<4096x256xf32>
    %shift_right_arithmetic3A_176 = arith.constant 10 : i32
    %shift_right_arithmetic3A_177 = vector.broadcast %shift_right_arithmetic3A_176 : i32 to vector<1x256xi32>
    %shift_right_arithmetic3A_178 = arith.shrsi %get3A_8, %shift_right_arithmetic3A_177 : vector<1x256xi32>
    %and3A_179 = arith.constant 1 : i32
    %and3A_180 = vector.broadcast %and3A_179 : i32 to vector<1x256xi32>
    %and3A_181 = arith.andi %shift_right_arithmetic3A_178, %and3A_180 : vector<1x256xi32>
    %eq3A_182 = arith.constant 1 : i32
    %eq3A_183 = vector.broadcast %eq3A_182 : i32 to vector<1x256xi32>
    %eq3A_184 = arith.cmpi eq, %and3A_181, %eq3A_183 : vector<1x256xi32>
    %broadcast_in_dim3A_185 = vector.shape_cast %eq3A_184 : vector<1x256xi1> to vector<1x256xi1>
    %broadcast_in_dim3A_186 = vector.broadcast %broadcast_in_dim3A_185 : vector<1x256xi1> to vector<4096x256xi1>
    %select_n3A_187 = arith.select %broadcast_in_dim3A_186, %concatenate3A_175, %select_n3A_170 : vector<4096x256xi1>, vector<4096x256xf32>
    %slice3A_188 = vector.extract_strided_slice %select_n3A_187 {offsets = [4095, 0], sizes = [1, 256], strides = [1, 1]} : vector<4096x256xf32> to vector<1x256xf32>
    %broadcast_in_dim3A_189 = vector.shape_cast %slice3A_188 : vector<1x256xf32> to vector<1x256xf32>
    %broadcast_in_dim3A_190 = vector.broadcast %broadcast_in_dim3A_189 : vector<1x256xf32> to vector<2048x256xf32>
    %slice3A_191 = vector.extract_strided_slice %select_n3A_187 {offsets = [2048, 0], sizes = [2048, 256], strides = [1, 1]} : vector<4096x256xf32> to vector<2048x256xf32>
    %concatenate3A_192 = tpu.concatenate %slice3A_191, %broadcast_in_dim3A_190 in 0 : vector<2048x256xf32>, vector<2048x256xf32> -> vector<4096x256xf32>
    %shift_right_arithmetic3A_193 = arith.constant 11 : i32
    %shift_right_arithmetic3A_194 = vector.broadcast %shift_right_arithmetic3A_193 : i32 to vector<1x256xi32>
    %shift_right_arithmetic3A_195 = arith.shrsi %get3A_8, %shift_right_arithmetic3A_194 : vector<1x256xi32>
    %and3A_196 = arith.constant 1 : i32
    %and3A_197 = vector.broadcast %and3A_196 : i32 to vector<1x256xi32>
    %and3A_198 = arith.andi %shift_right_arithmetic3A_195, %and3A_197 : vector<1x256xi32>
    %eq3A_199 = arith.constant 1 : i32
    %eq3A_200 = vector.broadcast %eq3A_199 : i32 to vector<1x256xi32>
    %eq3A_201 = arith.cmpi eq, %and3A_198, %eq3A_200 : vector<1x256xi32>
    %broadcast_in_dim3A_202 = vector.shape_cast %eq3A_201 : vector<1x256xi1> to vector<1x256xi1>
    %broadcast_in_dim3A_203 = vector.broadcast %broadcast_in_dim3A_202 : vector<1x256xi1> to vector<4096x256xi1>
    %select_n3A_204 = arith.select %broadcast_in_dim3A_203, %concatenate3A_192, %select_n3A_187 : vector<4096x256xi1>, vector<4096x256xf32>
    %get3A_205 = arith.constant 0 : index
    %get3A_206 = arith.constant 0 : index
    %get3A_207 = vector.load %arg5[%get3A_205, %get3A_206] : memref<4096x256xf32, #tpu.memory_space<vmem>>, vector<4096x256xf32>
    %get3A_208 = arith.constant 0 : index
    %get3A_209 = arith.constant 0 : index
    %get3A_210 = arith.constant 0 : index
    %get3A_211 = vector.load %arg3[%get3A_208, %get3A_209, %get3A_210] : memref<1x1x256xf32, #tpu.memory_space<vmem>>, vector<1x1x256xf32>
    %get3A_212 = vector.shape_cast %get3A_211 : vector<1x1x256xf32> to vector<1x256xf32>
    %mul3A = vector.broadcast %get3A_212 : vector<1x256xf32> to vector<4096x256xf32>
    %mul3A_213 = arith.mulf %mul3A, %select_n3A_204 : vector<4096x256xf32>
    %add3A = arith.addf %get3A_207, %mul3A_213 : vector<4096x256xf32>
    %swap3A = arith.constant 0 : index
    %swap3A_214 = arith.constant 0 : index
    %swap3A_215 = vector.load %arg5[%swap3A, %swap3A_214] : memref<4096x256xf32, #tpu.memory_space<vmem>>, vector<4096x256xf32>
    tpu.vector_store %arg5[%swap3A, %swap3A_214], %add3A {strides = array<i32>} : memref<4096x256xf32, #tpu.memory_space<vmem>>, vector<4096x256xf32>,
    return
  }
  func.func @transform_0(%arg0: i32, %arg1: i32) -> (i32, i32) {
    %c0_i32 = arith.constant 0 : i32
    %c0_i32_0 = arith.constant 0 : i32
    return %c0_i32, %arg0 : i32, i32
  }
  func.func @transform_1(%arg0: i32, %arg1: i32) -> (i32, i32, i32) {
    %c0_i32 = arith.constant 0 : i32
    %c0_i32_0 = arith.constant 0 : i32
    return %arg1, %c0_i32, %arg0 : i32, i32, i32
  }
  func.func @transform_2(%arg0: i32, %arg1: i32) -> (i32, i32, i32) {
    %c0_i32 = arith.constant 0 : i32
    %c0_i32_0 = arith.constant 0 : i32
    return %arg1, %c0_i32, %arg0 : i32, i32, i32
  }
  func.func @transform_3(%arg0: i32, %arg1: i32) -> (i32, i32) {
    %c0_i32 = arith.constant 0 : i32
    %c0_i32_0 = arith.constant 0 : i32
    return %c0_i32, %arg0 : i32, i32
  }
}

</mosaic_0001>

<sc_bundles>
// kernel: sparse-core-data-format-call.1.cloned.1.call-start
scs
called_computation.1_lowered:
.L_overlay_start_0:
0x0: {  	s2 =	sld [smem:$0x3FD9]  }
0x1: {  	s3 =	sld [smem:$0x3FFE];
	_ =	sdelay $0x1  }
0x2: {  	s1 =	srdreg.scid  }
0x3: {  	s0 =	sand.u32 $0x1, s1  }
0x4: {  	s18 =	sshll.u32 s0, $0xA;
	s2 =	sadd.s32 s3, s2  }
0x5: {  	s2 =	sadd.s32 s2, s18  }
0x6: {  	[smem:$0x3FC5] =	sst s2  }
0x7: {  	_ = 	snop  }
0x8: {  	s2 =	sld [smem:$0x3FC8];
	(tm) =	ssettm $0x1  }
0x9: {  	s19 =	sld [smem:$0x3FFB];
	_ =	sdelay $0x3  }
0xa: {  	_ =	strace s19  }
0xb: {  	s3 =	sld [smem:$0x3FFC];
	_ =	sdelay $0x3  }
0xc: {  	_ =	strace s3  }
0xd: {  	s3 =	sld [smem:$0x3FFD];
	_ =	sdelay $0x3  }
0xe: {  	_ =	strace s3  }
0xf: {  	_ =	strace $0x8FFFFFFF  }
0x10: {  	s20 =	sld [smem:$0x3FDB];
	_ =	sdelay $0x1  }
0x11: {  	s4 =	simm.s32 $_scs_section_size  }
0x12: {  	s5 =	simm.s32 $_size__tile_overlayer_lowered;
	s6 =	simm.s32 $_tile_overlayer_lowered  }
0x13: {  	s23 =	simm.s32 $0x1BFF;
	s22 =	sshll.u32 s6, $0x1;
	s3 =	sadd.s32 s4, s20  }
0x14: {  	s7 =	simm.s32 $0x0;
	s21 =	sshll.u32 s5, $0x1;
	s5 =	sadd.s32 s22, s3  }
0x15: {  	[timem:s7], [sflag:s23] =	dma.local [hbm:s5], s21  }
0x16: {  	_ =	swait.ge [sflag:s23], s21  }
0x17: {  	s4 =	ssub.s32 $0x0, s21;
	[sflag:s23] =	ssyncset.done $0x0  }
0x18: {  	[sflag:s23] =	ssyncadd.s32 s4;
	_ =	sdelay $0x1  }
0x19: {  	s24 =	simm.s32 $0x1B8B  }
0x1a: {  	_ =	swait.ge [sflag:s24], $0x1  }
0x1b: {  	[sflag:s24] =	ssyncset.done $0x0  }
0x1c: {  	s26 =	simm.s32 $0x1B8E;
	s25 =	sld [smem:$0x3FFE];
	[sflag:s24] =	ssyncadd.s32 $0xFFFFFFFF  }
0x1d: {  	s27 =	simm.s32 $execute0_lowered;
	[smem:$0x3FD2] =	sst s26  }
0x1e: {  	s5 =	sshll.u32 s27, $0x1;
	_ =	strace $0x80000046;
	[dreg:$0x1] =	wrdreg $0xFFFFFFFF  }
0x1f: {  	s28 =	simm.s32 $_size_execute0_lowered;
	s3 =	sadd.s32 s3, s5;
	[dreg:$0x0] =	wrdreg $0x0  }
0x20: {  	s5 =	sshll.u32 s28, $0x1;
	[dreg:$0x2] =	wrdreg s3  }
0x21: {  	[dreg:$0x3] =	wrdreg s5  }
0x22: {  	[dreg:$0x4] =	wrdreg $0xC0  }
0x23: {  	_ =	task [dreg:s7], $0x5FFFF  }
0x24: {  	[dreg:$0x1] =	wrdreg $0xFFFFFFFF  }
0x25: {  	[dreg:$0x0] =	wrdreg $0x60  }
0x26: {  	[dreg:$0x2] =	wrdreg s2  }
0x27: {  	[dreg:$0x3] =	wrdreg s25  }
0x28: {  	[dreg:$0x4] =	wrdreg $0x9  }
0x29: {  	_ =	task.clear_ibuf [dreg:s7], $0x5FFFF;
	_ =	strace $0x90000046  }
0x2a: {  	s29 =	simm.s32 $0x9;
	_ =	strace $0x80000048  }
0x2b: {  	_ =	swait.ge [sflag:s29], $0x1  }
0x2c: {  	[sflag:s29] =	ssyncadd.s32 $0xFFFFFFFF  }
0x2d: {  	_ =	strace $0x90000048  }
0x2e: {  	_ =	sfence  }
0x2f: {  	s30 =	sld [smem:$0x0];
	_ =	sdelay $0x2  }
0x30: {  	s31 =	sshll.u32 s1, $0xD;
	s1 =	sshrl.u32 s1, $0x2  }
0x31: {  	s3 =	sand.u32 $0x4000, s31;
	s1 =	sadd.s32 s1, s30  }
0x32: {  	s0 =	sor.u32 s3, s0;
	s1 =	sshll.u32 s1, $0x11  }
0x33: {  	s0 =	sor.u32 s1, s0  }
0x34: {  	s0 =	sadd.s32 $0x8F2B, s0  }
0x35: {  	[sflag:s0] =	ssyncadd.remote.s32 $0x1  }
0x36: {  	_ =	sfence.sel $0xFFFF  }
0x37: {  	[dreg:$0x0] =	wrdreg $0xFFFFFFFF;
	(pc) =	sbr.abs _section_cstart, $3  }
0x38: {  	[dreg:$0x1] =	wrdreg $0xFFFFFFFF  }
0x39: {  	_ =	task.clear_ibuf [dreg:s7], $0x2FFFF;
	_ =	strace $0x9FFFFFFF  }
0x3a: {  	(tm) =	ssettm $0x7FFFFFFF  }
0x3b: {  	_ =	shalt  }
tec
execute0_lowered:
.L_overlay_start_1:
0x0: {  	(tag) =	ssettag $0x1  }
0x1: {  	s0 =	stileid.u32;
	s3 =	rddreg [dreg:$0x0]  }
0x2: {  	s1 =	srdreg.scid;
	s6 =	rddreg [dreg:$0x1]  }
0x3: {  	s8 =	simm.s32 $0x2;
	s2 =	sshll.u32 s0, $0x1;
	s1 =	sshll.u32 s1, $0x5  }
0x4: {  	s17 =	simm.s32 $0x0;
	s9 =	simm.s32 $0x6000;
	s1 =	sor.u32 s2, s1  }
0x5: {  	s10 =	simm.s32 $0x0;
	s19 =	simm.s32 $0x0;
	s2 =	sand.u32 $0x38, s1  }
0x6: {  	s16 =	simm.s32 $0x0;
	s18 =	simm.s32 $0x0;
	s1 =	ssub.s32 $0x200, s2  }
0x7: {  	s11 =	simm.s32 $0x0;
	s12 =	simm.s32 $0x0;
	s4 =	sand.u32 $0x38, s1  }
0x8: {  	s15 =	simm.s32 $0x0;
	p0 =	sne.s32 s4, $0x0;
	s4 =	simm.s32 $0x1  }
.Ltmp0:
0x9: {  	s5 =	sshrl.u32 s1, $0x6;
	s4 =	simm.s32 @!p0 $0x0;
	(pc) =	sbr.rel .LBB1_1-.Ltmp0, $4  }
0xa: {  	s7 =	sand.u32 $0x3, s0;
	s1 =	rddreg [dreg:$0x2];
	s5 =	sadd.s32 s4, s5  }
0xb: {  	_ =	strace $0x80000047;
	s4 =	simm.s32 $0x1;
	s5 =	smul.u32 $0x3, s5  }
0xc: {  	s6 =	sadd.s32 $0x1600, s6;
	s14 =	smov.u32 s7;
	[sflag:s4] =	ssyncpa.u1 $0x0  }
0xd: {  	s13 =	smov.u32 s2;
	[sflag:s8] =	ssyncpa.u1 $0x0;
	s8 =	sadd.s32 $0x1, s5  }
.LBB1_7:
0xe: {  	s20 =	sadd.s32 $0x100, s11  }
0xf: {  	s16 =	sadd.s32 $0x8, s12;
	s21 =	smov.u32 s12;
	p1 =	sgt.s32 s20, $0x2FF  }
0x10: {  	s21 =	smov.u32 @p1 s16  }
0x11: {  	s22 =	smov.u32 s13;
	s16 =	sadd.s32 $0x40, s13;
	p2 =	sgt.s32 s21, $0x7  }
0x12: {  	s22 =	smov.u32 @p2 s16  }
0x13: {  	s23 =	smov.u32 s14;
	s16 =	sadd.s32 $0x4, s14;
	p3 =	sgt.s32 s22, $0x1FF  }
0x14: {  	p0 =	slt.u32 s15, $0x2;
	s23 =	smov.u32 @p3 s16  }
0x15: {  	s17 =	smov.u32 s11;
	s20 =	simm.s32 @p1 $0x0;
	p1 =	sgt.s32 s23, $0x3  }
0x16: {  	s24 =	simm.s32 @!p0 $0x2;
	s23 =	smov.u32 @p1 s7;
	p1 =	sne.s32 s15, s8  }
.Ltmp1:
0x17: {  	s19 =	smov.u32 s12;
	_ =	swait.ge @!p0 [sflag:s24], $0x4000;
	(pc) =	sbr.rel @!p1 .LBB1_8-.Ltmp1, $4  }
0x18: {  	s18 =	smov.u32 s14;
	s10 =	sadd.s32 $0x4000, s10;
	[sflag:s24] =	ssyncset.done @!p0 $0x0  }
0x19: {  	s11 =	smov.u32 s20;
	s21 =	simm.s32 @p2 $0x0;
	[sflag:s24] =	ssyncadd.s32 @!p0 $0xFFFFC000  }
0x1a: {  	s12 =	smov.u32 s21;
	s22 =	smov.u32 @p3 s2;
	s16 =	smov.u32 s13  }
0x1b: {  	s13 =	smov.u32 s22;
	s15 =	sadd.s32 $0x1, s15;
	s14 =	smov.u32 s23  }
.LBB1_1:
0x1c: {  	p0 =	sge.u32 s15, s5  }
0x1d: {  	s20 =	sshrl.u32 @!p0 s12, $0x3  }
0x1e: {  	s21 =	sshll.u32 @!p0 s11, $0x3;
	s20 =	smul.u32 @!p0 $0x1800, s20  }
0x1f: {  	s22 =	sshll.u32 @!p0 s12, $0x7;
	s21 =	sand.u32 @!p0 $0xFFFFFC00, s21  }
0x20: {  	s20 =	sadd.s32 @!p0 s20, s21;
	s21 =	sand.u32 @!p0 $0x380, s22  }
0x21: {  	s22 =	sand.u32 @!p0 $0x7F, s11;
	s20 =	sor.u32 @!p0 s21, s20  }
0x22: {  	s21 =	sor.u32 @!p0 s22, s20  }
0x23: {  	s22 =	smulhi.u32 @!p0 $0xAAAAAAAB, s21  }
0x24: {  	s20 =	smulhi.u32 @!p0 $0xAAAAAAAB, s20  }
0x25: {  	s31 =	sadd.s32 $0xFFFFFFFF, s15;
	s24 =	smul.u32 @!p0 $0x60000, s14;
	s22 =	sshrl.u32 @!p0 s22, $0x9  }
0x26: {  	s23 =	sxor.u32 @!p0 $0xFFFFFFFF, s15;
	s20 =	sshrl.u32 @!p0 s20, $0x9;
	s22 =	smul.u32 @!p0 $0x300, s22  }
0x27: {  	s25 =	smul.u32 @!p0 $0x300, s13;
	s23 =	sshll.u32 @!p0 s23, $0xE;
	s20 =	sand.u32 @!p0 $0x7, s20  }
0x28: {  	s20 =	smul.u32 @!p0 $0x60, s20;
	s21 =	ssub.s32 @!p0 s21, s22;
	s22 =	sadd.s32 @!p0 s3, s24  }
0x29: {  	s23 =	sand.u32 @!p0 $0x4000, s23;
	s22 =	sadd.s32 @!p0 s25, s22;
	s24 =	sand.u32 @!p0 $0x7, s21  }
0x2a: {  	s21 =	sshrl.u32 @!p0 s21, $0x3;
	s20 =	sadd.s32 @!p0 s20, s22;
	s22 =	sshll.u32 @!p0 s24, $0x12  }
0x2b: {  	s20 =	sadd.s32 @!p0 s21, s20;
	s21 =	sor.u32 @!p0 $0x800, s22;
	s22 =	simm.s32 @!p0 $0x1800  }
0x2c: {  	[tilespmem:s23], [sflag:$0x1] =	stream.strided.gather @!p0 [hbm4b:s20+s21], $0x4000, s22, s21, $0x38;
	[tilespmem:$0x10000] =	vst v63  }
0x2d: {  	p0 =	sge.u32 s31, s5  }
.Ltmp2:
0x2e: {  	_ = 	snop;
	(pc) =	sbr.rel @p0 .LBB1_7-.Ltmp2, $1  }
0x2f: {  	_ =	sdelay $0x3  }
0x30: {  	s20 =	sand.u32 $0x4000, s10  }
0x31: {  	_ =	swait.ge [sflag:s4], $0x4000;
	s23 =	sshll.u32 s15, $0xE;
	s21 =	sor.u32 $0x400, s20  }
0x32: {  	s22 =	sor.u32 $0x8470, s20;
	[sflag:s4] =	ssyncset.done $0x0;
	s31 =	sand.u32 $0x4000, s23  }
0x33: {  	s23 =	simm.s32 $0x0;
	[sflag:s4] =	ssyncadd.s32 $0xFFFFC000;
	s20 =	sor.u32 $0x8000, s31  }
.LBB1_3:
0x34: {  	v1 =	vmov s21;
	_ =	sdelay $0x3  }
0x35: {  	s24 =	simm.s32 $0x0  }
0x36: {  	v2 =	vld.idx.msk [tilespmem:v1+s24+$0x70 ss:$0x1], $0xffff  }
0x37: {  	v0 =	vmov s22;
	v3 =	vld.idx.msk [tilespmem:v1+s24+$0xFFFFFC00 ss:$0x1], $0xffff  }
0x38: {  	v4 =	vld.idx.msk [tilespmem:v1+s24+$0xFFFFFC10 ss:$0x1], $0xffff  }
0x39: {  	v5 =	vld.idx.msk [tilespmem:v1+s24+$0xFFFFFC20 ss:$0x1], $0xffff  }
0x3a: {  	v6 =	vld.idx.msk [tilespmem:v1+s24+$0xFFFFFC30 ss:$0x1], $0xffff  }
0x3b: {  	v7 =	vld.idx.msk [tilespmem:v1+s24+$0xFFFFFC40 ss:$0x1], $0xffff  }
0x3c: {  	v8 =	vld.idx.msk [tilespmem:v1+s24+$0xFFFFFC50 ss:$0x1], $0xffff;
	[tilespmem:v0+s24+$0x0 ss:$0x1] =	vst.idx.msk $0xffff, v2  }
0x3d: {  	v9 =	vld.idx.msk [tilespmem:v1+s24+$0xFFFFFC60 ss:$0x1], $0xffff;
	[tilespmem:v0+s24+$0xFFFFFB90 ss:$0x1] =	vst.idx.msk $0xffff, v3  }
0x3e: {  	v10 =	vld.idx.msk [tilespmem:v1+s24+$0xFFFFFC70 ss:$0x1], $0xffff;
	[tilespmem:v0+s24+$0xFFFFFBA0 ss:$0x1] =	vst.idx.msk $0xffff, v4  }
0x3f: {  	v11 =	vld.idx.msk [tilespmem:v1+s24+$0x0 ss:$0x1], $0xffff;
	[tilespmem:v0+s24+$0xFFFFFBB0 ss:$0x1] =	vst.idx.msk $0xffff, v5  }
0x40: {  	[tilespmem:v0+s24+$0xFFFFFBC0 ss:$0x1] =	vst.idx.msk $0xffff, v6;
	v2 =	vld.idx.msk [tilespmem:v1+s24+$0x10 ss:$0x1], $0xffff  }
0x41: {  	[tilespmem:v0+s24+$0xFFFFFBD0 ss:$0x1] =	vst.idx.msk $0xffff, v7;
	v3 =	vld.idx.msk [tilespmem:v1+s24+$0x20 ss:$0x1], $0xffff  }
0x42: {  	[tilespmem:v0+s24+$0xFFFFFBE0 ss:$0x1] =	vst.idx.msk $0xffff, v8;
	v4 =	vld.idx.msk [tilespmem:v1+s24+$0x30 ss:$0x1], $0xffff  }
0x43: {  	[tilespmem:v0+s24+$0xFFFFFBF0 ss:$0x1] =	vst.idx.msk $0xffff, v9;
	v5 =	vld.idx.msk [tilespmem:v1+s24+$0x40 ss:$0x1], $0xffff  }
0x44: {  	[tilespmem:v0+s24+$0xFFFFFC00 ss:$0x1] =	vst.idx.msk $0xffff, v10;
	v6 =	vld.idx.msk [tilespmem:v1+s24+$0x50 ss:$0x1], $0xffff  }
0x45: {  	s25 =	simm.s32 $0x80;
	s26 =	simm.s32 $0x400;
	[tilespmem:v0+s24+$0xFFFFFF90 ss:$0x1] =	vst.idx.msk $0xffff, v11;
	v7 =	vld.idx.msk [tilespmem:v1+s24+$0x60 ss:$0x1], $0xffff  }
.LBB1_4:
0x46: {  	p0 =	sne.s32 s26, $0xE00;
	v8 =	vld.idx.msk [tilespmem:v1+s25+$0x70 ss:$0x1], $0xffff;
	[tilespmem:v0+s24+$0xFFFFFFA0 ss:$0x1] =	vst.idx.msk $0xffff, v2  }
0x47: {  	v2 =	vld.idx.msk [tilespmem:v1+s25+$0xFFFFFC00 ss:$0x1], $0xffff;
	[tilespmem:v0+s24+$0xFFFFFFB0 ss:$0x1] =	vst.idx.msk $0xffff, v3  }
0x48: {  	v3 =	vld.idx.msk [tilespmem:v1+s25+$0xFFFFFC10 ss:$0x1], $0xffff;
	[tilespmem:v0+s24+$0xFFFFFFC0 ss:$0x1] =	vst.idx.msk $0xffff, v4  }
0x49: {  	v4 =	vld.idx.msk [tilespmem:v1+s25+$0xFFFFFC20 ss:$0x1], $0xffff;
	[tilespmem:v0+s24+$0xFFFFFFD0 ss:$0x1] =	vst.idx.msk $0xffff, v5  }
0x4a: {  	v5 =	vld.idx.msk [tilespmem:v1+s25+$0xFFFFFC30 ss:$0x1], $0xffff;
	[tilespmem:v0+s24+$0xFFFFFFE0 ss:$0x1] =	vst.idx.msk $0xffff, v6  }
0x4b: {  	v6 =	vld.idx.msk [tilespmem:v1+s25+$0xFFFFFC40 ss:$0x1], $0xffff;
	[tilespmem:v0+s24+$0xFFFFFFF0 ss:$0x1] =	vst.idx.msk $0xffff, v7;
	s24 =	smov.u32 s25  }
0x4c: {  	v7 =	vld.idx.msk [tilespmem:v1+s24+$0xFFFFFC50 ss:$0x1], $0xffff;
	[tilespmem:v0+s24+$0x0 ss:$0x1] =	vst.idx.msk $0xffff, v8  }
0x4d: {  	[tilespmem:v0+s24+$0xFFFFFB90 ss:$0x1] =	vst.idx.msk $0xffff, v2;
	v8 =	vld.idx.msk [tilespmem:v1+s24+$0xFFFFFC60 ss:$0x1], $0xffff  }
0x4e: {  	[tilespmem:v0+s24+$0xFFFFFBA0 ss:$0x1] =	vst.idx.msk $0xffff, v3;
	v9 =	vld.idx.msk [tilespmem:v1+s24+$0xFFFFFC70 ss:$0x1], $0xffff  }
0x4f: {  	[tilespmem:v0+s24+$0xFFFFFBB0 ss:$0x1] =	vst.idx.msk $0xffff, v4;
	v10 =	vld.idx.msk [tilespmem:v1+s24+$0x0 ss:$0x1], $0xffff  }
0x50: {  	[tilespmem:v0+s24+$0xFFFFFBC0 ss:$0x1] =	vst.idx.msk $0xffff, v5;
	v2 =	vld.idx.msk [tilespmem:v1+s24+$0x10 ss:$0x1], $0xffff  }
.Ltmp3:
0x51: {  	[tilespmem:v0+s24+$0xFFFFFBD0 ss:$0x1] =	vst.idx.msk $0xffff, v6;
	v3 =	vld.idx.msk [tilespmem:v1+s24+$0x20 ss:$0x1], $0xffff;
	(pc) =	sbr.rel @p0 .LBB1_4-.Ltmp3, $4  }
0x52: {  	[tilespmem:v0+s24+$0xFFFFFBE0 ss:$0x1] =	vst.idx.msk $0xffff, v7;
	v4 =	vld.idx.msk [tilespmem:v1+s24+$0x30 ss:$0x1], $0xffff  }
0x53: {  	[tilespmem:v0+s24+$0xFFFFFBF0 ss:$0x1] =	vst.idx.msk $0xffff, v8;
	v5 =	vld.idx.msk [tilespmem:v1+s24+$0x40 ss:$0x1], $0xffff  }
0x54: {  	[tilespmem:v0+s24+$0xFFFFFC00 ss:$0x1] =	vst.idx.msk $0xffff, v9;
	v6 =	vld.idx.msk [tilespmem:v1+s24+$0x50 ss:$0x1], $0xffff  }
0x55: {  	s25 =	sshra.s32 s26, $0x2;
	s26 =	sadd.s32 $0x200, s26;
	[tilespmem:v0+s24+$0xFFFFFF90 ss:$0x1] =	vst.idx.msk $0xffff, v10;
	v7 =	vld.idx.msk [tilespmem:v1+s24+$0x60 ss:$0x1], $0xffff  }
0x56: {  	_ =	sdelay $0x3  }
0x57: {  	[tilespmem:v0+s24+$0xFFFFFFA0 ss:$0x1] =	vst.idx.msk $0xffff, v2  }
0x58: {  	v48 =	vld.idx.msk [tilespmem:v1+s25+$0x70 ss:$0x1], $0xffff;
	[tilespmem:v0+s24+$0xFFFFFFB0 ss:$0x1] =	vst.idx.msk $0xffff, v3  }
0x59: {  	v49 =	vld.idx.msk [tilespmem:v1+s25+$0xFFFFFC00 ss:$0x1], $0xffff;
	[tilespmem:v0+s24+$0xFFFFFFC0 ss:$0x1] =	vst.idx.msk $0xffff, v4  }
0x5a: {  	v50 =	vld.idx.msk [tilespmem:v1+s25+$0xFFFFFC10 ss:$0x1], $0xffff;
	[tilespmem:v0+s24+$0xFFFFFFD0 ss:$0x1] =	vst.idx.msk $0xffff, v5  }
0x5b: {  	v51 =	vld.idx.msk [tilespmem:v1+s25+$0xFFFFFC20 ss:$0x1], $0xffff;
	[tilespmem:v0+s24+$0xFFFFFFE0 ss:$0x1] =	vst.idx.msk $0xffff, v6  }
0x5c: {  	v52 =	vld.idx.msk [tilespmem:v1+s25+$0xFFFFFC30 ss:$0x1], $0xffff;
	[tilespmem:v0+s24+$0xFFFFFFF0 ss:$0x1] =	vst.idx.msk $0xffff, v7  }
0x5d: {  	v53 =	vld.idx.msk [tilespmem:v1+s25+$0xFFFFFC40 ss:$0x1], $0xffff;
	[tilespmem:v0+s25+$0x0 ss:$0x1] =	vst.idx.msk $0xffff, v48  }
0x5e: {  	v54 =	vld.idx.msk [tilespmem:v1+s25+$0xFFFFFC50 ss:$0x1], $0xffff;
	[tilespmem:v0+s25+$0xFFFFFB90 ss:$0x1] =	vst.idx.msk $0xffff, v49  }
0x5f: {  	v55 =	vld.idx.msk [tilespmem:v1+s25+$0xFFFFFC60 ss:$0x1], $0xffff;
	[tilespmem:v0+s25+$0xFFFFFBA0 ss:$0x1] =	vst.idx.msk $0xffff, v50  }
0x60: {  	v56 =	vld.idx.msk [tilespmem:v1+s25+$0xFFFFFC70 ss:$0x1], $0xffff;
	[tilespmem:v0+s25+$0xFFFFFBB0 ss:$0x1] =	vst.idx.msk $0xffff, v51  }
0x61: {  	v57 =	vld.idx.msk [tilespmem:v1+s25+$0x0 ss:$0x1], $0xffff;
	[tilespmem:v0+s25+$0xFFFFFBC0 ss:$0x1] =	vst.idx.msk $0xffff, v52  }
0x62: {  	v58 =	vld.idx.msk [tilespmem:v1+s25+$0x10 ss:$0x1], $0xffff;
	[tilespmem:v0+s25+$0xFFFFFBD0 ss:$0x1] =	vst.idx.msk $0xffff, v53  }
0x63: {  	v59 =	vld.idx.msk [tilespmem:v1+s25+$0x20 ss:$0x1], $0xffff;
	[tilespmem:v0+s25+$0xFFFFFBE0 ss:$0x1] =	vst.idx.msk $0xffff, v54  }
0x64: {  	v60 =	vld.idx.msk [tilespmem:v1+s25+$0x30 ss:$0x1], $0xffff;
	[tilespmem:v0+s25+$0xFFFFFBF0 ss:$0x1] =	vst.idx.msk $0xffff, v55  }
0x65: {  	v61 =	vld.idx.msk [tilespmem:v1+s25+$0x40 ss:$0x1], $0xffff;
	[tilespmem:v0+s25+$0xFFFFFC00 ss:$0x1] =	vst.idx.msk $0xffff, v56  }
0x66: {  	v62 =	vld.idx.msk [tilespmem:v1+s25+$0x50 ss:$0x1], $0xffff;
	s23 =	sadd.s32 $0x1, s23;
	[tilespmem:v0+s25+$0xFFFFFF90 ss:$0x1] =	vst.idx.msk $0xffff, v57  }
0x67: {  	v63 =	vld.idx.msk [tilespmem:v1+s25+$0x60 ss:$0x1], $0xffff;
	p0 =	sne.s32 s23, $0x8;
	[tilespmem:v0+s25+$0xFFFFFFA0 ss:$0x1] =	vst.idx.msk $0xffff, v58  }
.Ltmp4:
0x68: {  	[tilespmem:v0+s25+$0xFFFFFFB0 ss:$0x1] =	vst.idx.msk $0xffff, v59;
	(pc) =	sbr.rel @p0 .LBB1_3-.Ltmp4, $4  }
0x69: {  	[tilespmem:v0+s25+$0xFFFFFFC0 ss:$0x1] =	vst.idx.msk $0xffff, v60  }
0x6a: {  	[tilespmem:v0+s25+$0xFFFFFFD0 ss:$0x1] =	vst.idx.msk $0xffff, v61  }
0x6b: {  	[tilespmem:v0+s25+$0xFFFFFFE0 ss:$0x1] =	vst.idx.msk $0xffff, v62  }
0x6c: {  	s21 =	sadd.s32 $0x800, s21;
	s22 =	sadd.s32 $0x800, s22;
	[tilespmem:v0+s25+$0xFFFFFFF0 ss:$0x1] =	vst.idx.msk $0xffff, v63  }
0x6d: {  	s21 =	sshrl.u32 s19, $0x3  }
0x6e: {  	s22 =	sshll.u32 s17, $0x3;
	s21 =	smul.u32 $0x1800, s21  }
0x6f: {  	s27 =	sshll.u32 s19, $0x7;
	s22 =	sand.u32 $0xFFFFFC00, s22  }
0x70: {  	s19 =	sand.u32 $0x380, s27;
	s21 =	sadd.s32 s21, s22  }
0x71: {  	s28 =	sand.u32 $0x7F, s17;
	s19 =	sor.u32 s19, s21  }
0x72: {  	s17 =	sor.u32 s28, s19;
	s19 =	smulhi.u32 $0xAAAAAAAB, s19  }
0x73: {  	s29 =	smulhi.u32 $0xAAAAAAAB, s17  }
0x74: {  	s18 =	smul.u32 $0x300, s18  }
0x75: {  	s16 =	smul.u32 $0xC00, s16;
	s19 =	sshrl.u32 s19, $0x9;
	s21 =	sshrl.u32 s29, $0x9  }
0x76: {  	s19 =	sand.u32 $0x7, s19;
	s21 =	smul.u32 $0x300, s21  }
0x77: {  	s19 =	smul.u32 $0x60, s19  }
.Ltmp5:
0x78: {  	s18 =	sadd.s32 s6, s18;
	s17 =	ssub.s32 s17, s21;
	(pc) =	sbr.rel .LBB1_7-.Ltmp5, $4  }
0x79: {  	s16 =	sadd.s32 s16, s18;
	s30 =	sand.u32 $0x7, s17  }
0x7a: {  	s16 =	sadd.s32 s19, s16;
	s17 =	sshrl.u32 s17, $0x3;
	s18 =	sshll.u32 s30, $0x12  }
0x7b: {  	s16 =	sadd.s32 s17, s16;
	s31 =	sor.u32 $0x800, s18  }
0x7c: {  	[hbm4b:s16+s31] =	stream.strided.scatter [tilespmem:s20], [sflag:$0x2], $0x4000, s9, s31, $0x38;
	[tilespmem:$0x10000] =	vst v63  }
.LBB1_8:
0x7d: {  	_ =	sfence.sel $0x180000  }
0x7e: {  	s2 =	simm.s32 $0x1;
	[bflag:$0x0] =	sbarrier.arrive $0xFFFF  }
0x7f: {  	s31 =	simm.s32 $0x2;
	[sflag:s2] =	ssyncpa.u1 $0x1  }
0x80: {  	[sflag:s31] =	ssyncpa.u1 $0x1  }
0x81: {  	p0 =	sne.s32 s0, $0x0;
	_ =	strace $0x90000047  }
0x82: {  	s0 =	sadd.s32 @!p0 $0x100000, s1;
	[bflag:$0x2] =	sbarrier.arrive $0xFFFF  }
0x83: {  	[sflag:s0] =	ssyncadd.tile.s32 @!p0 $0x1;
	_ =	shalt  }
.Lfunc_end1:
_tile_overlayer_lowered:
.L_overlay_start_2:
0x84: {  	(tag) =	ssettag $0x2  }
0x85: {  	s0 =	rddreg [dreg:$0x0];
	s2 =	stileid.u32  }
0x86: {  	s1 =	rddreg [dreg:$0x1];
	p0 =	sne.s32 s2, $0x0  }
0x87: {  	s3 =	rddreg [dreg:$0x2];
	[bflag:$0x3] =	sbarrier.arrive $0xFFFF;
	s2 =	simm.s32 @!p0 $0x1C01  }
0x88: {  	[timem:s3], [sflag:s2] =	dma.local @!p0 [hbm:s0], s1  }
0x89: {  	s0 =	simm.s32 @!p0 $0x1  }
0x8a: {  	_ =	swait.ge @!p0 [sflag:s0], s1  }
0x8b: {  	s1 =	ssub.s32 @!p0 $0x0, s1;
	[sflag:s0] =	ssyncset.done @!p0 $0x0  }
0x8c: {  	[sflag:s0] =	ssyncadd.s32 @!p0 s1  }
0x8d: {  	[bflag:$0x3] =	sbarrier.arrive $0xFFFF  }
0x8e: {  	_ =	shalt  }

// kernel: sparse-core-data-format-call.2.cloned.1.call-start
scs
called_computation.2_lowered:
.L_overlay_start_0:
0x0: {  	s2 =	sld [smem:$0x3FD9]  }
0x1: {  	s3 =	sld [smem:$0x3FFE];
	_ =	sdelay $0x1  }
0x2: {  	s1 =	srdreg.scid  }
0x3: {  	s0 =	sand.u32 $0x1, s1  }
0x4: {  	s18 =	sshll.u32 s0, $0xA;
	s2 =	sadd.s32 s3, s2  }
0x5: {  	s2 =	sadd.s32 s2, s18  }
0x6: {  	[smem:$0x3FC5] =	sst s2  }
0x7: {  	_ = 	snop  }
0x8: {  	s19 =	sld [smem:$0x3FC9];
	(tm) =	ssettm $0x1  }
0x9: {  	s20 =	sld [smem:$0x3FFB];
	_ =	sdelay $0x3  }
0xa: {  	_ =	strace s20  }
0xb: {  	s2 =	sld [smem:$0x3FFC];
	_ =	sdelay $0x3  }
0xc: {  	_ =	strace s2  }
0xd: {  	s2 =	sld [smem:$0x3FFD];
	_ =	sdelay $0x3  }
0xe: {  	_ =	strace s2  }
0xf: {  	_ =	strace $0x8FFFFFFF  }
0x10: {  	s21 =	sld [smem:$0x3FDB];
	_ =	sdelay $0x1  }
0x11: {  	s4 =	simm.s32 $_scs_section_size  }
0x12: {  	s5 =	simm.s32 $_size__tile_overlayer_lowered;
	s6 =	simm.s32 $_tile_overlayer_lowered  }
0x13: {  	s7 =	simm.s32 $0x1BFF;
	s22 =	sshll.u32 s6, $0x1;
	s4 =	sadd.s32 s4, s21  }
0x14: {  	s23 =	simm.s32 $0x0;
	s5 =	sshll.u32 s5, $0x1;
	s6 =	sadd.s32 s22, s4  }
0x15: {  	[timem:s23], [sflag:s7] =	dma.local [hbm:s6], s5  }
0x16: {  	_ =	swait.ge [sflag:s7], s5  }
0x17: {  	s5 =	ssub.s32 $0x0, s5;
	[sflag:s7] =	ssyncset.done $0x0  }
0x18: {  	[sflag:s7] =	ssyncadd.s32 s5;
	_ =	sdelay $0x1  }
0x19: {  	s24 =	simm.s32 $0x1B8B  }
0x1a: {  	_ =	swait.ge [sflag:s24], $0x1  }
0x1b: {  	[sflag:s24] =	ssyncset.done $0x0  }
0x1c: {  	[sflag:s24] =	ssyncadd.s32 $0xFFFFFFFF  }
0x1d: {  	s5 =	sld [smem:$0x0]  }
0x1e: {  	s6 =	sand.u32 $0xFFFFFFFE, s1  }
0x1f: {  	p0 =	sne.s32 s1, s6  }
0x20: {  	s6 =	sshll.u32 @p0 s6, $0xE  }
0x21: {  	s6 =	sadd.s32 @p0 $0x11B8D, s6;
	s7 =	sshll.u32 @p0 s5, $0x11  }
0x22: {  	s6 =	sor.u32 @p0 s7, s6  }
0x23: {  	[sflag:s6] =	ssyncadd.remote.s32 @p0 $0x1;
	_ =	sdelay $0x1  }
0x24: {  	s6 =	simm.s32 @p0 $0x1B8D  }
0x25: {  	_ =	swait.eq @p0 [sflag:s6], $0x1  }
0x26: {  	[sflag:s6] =	ssyncadd.s32 @p0 $0xFFFFFFFF  }
0x27: {  	s7 =	sshll.u32 @!p0 s1, $0xE  }
0x28: {  	s7 =	sor.u32 @!p0 $0x4000, s7;
	s6 =	simm.s32 @!p0 $0x1B8D  }
0x29: {  	s5 =	sshll.u32 @!p0 s5, $0x11;
	s7 =	sadd.s32 @!p0 $0x11B8D, s7;
	_ =	swait.eq @!p0 [sflag:s6], $0x1  }
0x2a: {  	s5 =	sor.u32 @!p0 s5, s7;
	[sflag:s6] =	ssyncadd.s32 @!p0 $0xFFFFFFFF  }
0x2b: {  	s26 =	simm.s32 $0x1B8E;
	s25 =	sld [smem:$0x3FFE];
	[sflag:s5] =	ssyncadd.remote.s32 @!p0 $0x1  }
0x2c: {  	s27 =	simm.s32 $execute0_lowered;
	[smem:$0x3FD2] =	sst s26  }
0x2d: {  	s6 =	sshll.u32 s27, $0x1;
	_ =	strace $0x80000049;
	[dreg:$0x1] =	wrdreg $0xFFFFFFFF  }
0x2e: {  	s28 =	simm.s32 $_size_execute0_lowered;
	s4 =	sadd.s32 s4, s6;
	[dreg:$0x0] =	wrdreg $0x0  }
0x2f: {  	s6 =	sshll.u32 s28, $0x1;
	[dreg:$0x2] =	wrdreg s4  }
0x30: {  	[dreg:$0x3] =	wrdreg s6  }
0x31: {  	[dreg:$0x4] =	wrdreg $0xC0  }
0x32: {  	_ =	task [dreg:s23], $0x5FFFF  }
0x33: {  	[dreg:$0x1] =	wrdreg $0xFFFFFFFF  }
0x34: {  	[dreg:$0x0] =	wrdreg $0x60  }
0x35: {  	[dreg:$0x2] =	wrdreg s19  }
0x36: {  	[dreg:$0x3] =	wrdreg s25  }
0x37: {  	[dreg:$0x4] =	wrdreg $0xA  }
0x38: {  	_ =	task.clear_ibuf [dreg:s23], $0x5FFFF;
	_ =	strace $0x90000049  }
0x39: {  	s29 =	simm.s32 $0xA;
	_ =	strace $0x8000004B  }
0x3a: {  	_ =	swait.ge [sflag:s29], $0x1  }
0x3b: {  	[sflag:s29] =	ssyncadd.s32 $0xFFFFFFFF  }
0x3c: {  	_ =	strace $0x9000004B  }
0x3d: {  	_ =	sfence  }
0x3e: {  	s30 =	sld [smem:$0x0];
	_ =	sdelay $0x2  }
0x3f: {  	s31 =	sshll.u32 s1, $0xD;
	s1 =	sshrl.u32 s1, $0x2  }
0x40: {  	s4 =	sand.u32 $0x4000, s31;
	s1 =	sadd.s32 s1, s30  }
0x41: {  	s0 =	sor.u32 s4, s0;
	s1 =	sshll.u32 s1, $0x11  }
0x42: {  	s0 =	sor.u32 s1, s0  }
0x43: {  	s0 =	sadd.s32 $0x8F2B, s0  }
0x44: {  	[sflag:s0] =	ssyncadd.remote.s32 $0x1  }
0x45: {  	_ =	sfence.sel $0xFFFF  }
0x46: {  	[dreg:$0x0] =	wrdreg $0xFFFFFFFF;
	(pc) =	sbr.abs _section_cstart, $3  }
0x47: {  	[dreg:$0x1] =	wrdreg $0xFFFFFFFF  }
0x48: {  	_ =	task.clear_ibuf [dreg:s23], $0x2FFFF;
	_ =	strace $0x9FFFFFFF  }
0x49: {  	(tm) =	ssettm $0x7FFFFFFF  }
tec
execute0_lowered:
.L_overlay_start_1:
0x0: {  	(tag) =	ssettag $0x1  }
0x1: {  	s0 =	stileid.u32;
	s3 =	rddreg [dreg:$0x0]  }
0x2: {  	s1 =	srdreg.scid;
	s6 =	rddreg [dreg:$0x1]  }
0x3: {  	s8 =	simm.s32 $0x2;
	s2 =	sshll.u32 s0, $0x1;
	s1 =	sshll.u32 s1, $0x5  }
0x4: {  	s17 =	simm.s32 $0x0;
	s9 =	simm.s32 $0x6000;
	s1 =	sor.u32 s2, s1  }
0x5: {  	s10 =	simm.s32 $0x0;
	s19 =	simm.s32 $0x0;
	s2 =	sand.u32 $0x38, s1  }
0x6: {  	s16 =	simm.s32 $0x0;
	s18 =	simm.s32 $0x0;
	s1 =	ssub.s32 $0x200, s2  }
0x7: {  	s11 =	simm.s32 $0x0;
	s12 =	simm.s32 $0x0;
	s4 =	sand.u32 $0x38, s1  }
0x8: {  	s15 =	simm.s32 $0x0;
	p0 =	sne.s32 s4, $0x0;
	s4 =	simm.s32 $0x1  }
.Ltmp0:
0x9: {  	s5 =	sshrl.u32 s1, $0x6;
	s4 =	simm.s32 @!p0 $0x0;
	(pc) =	sbr.rel .LBB1_1-.Ltmp0, $4  }
0xa: {  	s7 =	sand.u32 $0x3, s0;
	s1 =	rddreg [dreg:$0x2];
	s5 =	sadd.s32 s4, s5  }
0xb: {  	_ =	strace $0x8000004A;
	s4 =	simm.s32 $0x1;
	s5 =	smul.u32 $0x3, s5  }
0xc: {  	s6 =	sadd.s32 $0x181600, s6;
	s14 =	smov.u32 s7;
	[sflag:s4] =	ssyncpa.u1 $0x0  }
0xd: {  	s13 =	smov.u32 s2;
	[sflag:s8] =	ssyncpa.u1 $0x0;
	s8 =	sadd.s32 $0x1, s5  }
.LBB1_7:
0xe: {  	s20 =	sadd.s32 $0x100, s11  }
0xf: {  	s16 =	sadd.s32 $0x8, s12;
	s21 =	smov.u32 s12;
	p1 =	sgt.s32 s20, $0x2FF  }
0x10: {  	s21 =	smov.u32 @p1 s16  }
0x11: {  	s22 =	smov.u32 s13;
	s16 =	sadd.s32 $0x40, s13;
	p2 =	sgt.s32 s21, $0x7  }
0x12: {  	s22 =	smov.u32 @p2 s16  }
0x13: {  	s23 =	smov.u32 s14;
	s16 =	sadd.s32 $0x4, s14;
	p3 =	sgt.s32 s22, $0x1FF  }
0x14: {  	p0 =	slt.u32 s15, $0x2;
	s23 =	smov.u32 @p3 s16  }
0x15: {  	s17 =	smov.u32 s11;
	s20 =	simm.s32 @p1 $0x0;
	p1 =	sgt.s32 s23, $0x3  }
0x16: {  	s24 =	simm.s32 @!p0 $0x2;
	s23 =	smov.u32 @p1 s7;
	p1 =	sne.s32 s15, s8  }
.Ltmp1:
0x17: {  	s19 =	smov.u32 s12;
	_ =	swait.ge @!p0 [sflag:s24], $0x4000;
	(pc) =	sbr.rel @!p1 .LBB1_8-.Ltmp1, $4  }
0x18: {  	s18 =	smov.u32 s14;
	s10 =	sadd.s32 $0x4000, s10;
	[sflag:s24] =	ssyncset.done @!p0 $0x0  }
0x19: {  	s11 =	smov.u32 s20;
	s21 =	simm.s32 @p2 $0x0;
	[sflag:s24] =	ssyncadd.s32 @!p0 $0xFFFFC000  }
0x1a: {  	s12 =	smov.u32 s21;
	s22 =	smov.u32 @p3 s2;
	s16 =	smov.u32 s13  }
0x1b: {  	s13 =	smov.u32 s22;
	s15 =	sadd.s32 $0x1, s15;
	s14 =	smov.u32 s23  }
.LBB1_1:
0x1c: {  	p0 =	sge.u32 s15, s5  }
0x1d: {  	s20 =	sshrl.u32 @!p0 s12, $0x3  }
0x1e: {  	s21 =	sshll.u32 @!p0 s11, $0x3;
	s20 =	smul.u32 @!p0 $0x1800, s20  }
0x1f: {  	s22 =	sshll.u32 @!p0 s12, $0x7;
	s21 =	sand.u32 @!p0 $0xFFFFFC00, s21  }
0x20: {  	s20 =	sadd.s32 @!p0 s20, s21;
	s21 =	sand.u32 @!p0 $0x380, s22  }
0x21: {  	s22 =	sand.u32 @!p0 $0x7F, s11;
	s20 =	sor.u32 @!p0 s21, s20  }
0x22: {  	s21 =	sor.u32 @!p0 s22, s20  }
0x23: {  	s22 =	smulhi.u32 @!p0 $0xAAAAAAAB, s21  }
0x24: {  	s20 =	smulhi.u32 @!p0 $0xAAAAAAAB, s20  }
0x25: {  	s31 =	sadd.s32 $0xFFFFFFFF, s15;
	s24 =	smul.u32 @!p0 $0x60000, s14;
	s22 =	sshrl.u32 @!p0 s22, $0x9  }
0x26: {  	s23 =	sxor.u32 @!p0 $0xFFFFFFFF, s15;
	s20 =	sshrl.u32 @!p0 s20, $0x9;
	s22 =	smul.u32 @!p0 $0x300, s22  }
0x27: {  	s25 =	smul.u32 @!p0 $0x300, s13;
	s23 =	sshll.u32 @!p0 s23, $0xE;
	s20 =	sand.u32 @!p0 $0x7, s20  }
0x28: {  	s20 =	smul.u32 @!p0 $0x60, s20;
	s21 =	ssub.s32 @!p0 s21, s22;
	s22 =	sadd.s32 @!p0 s3, s24  }
0x29: {  	s23 =	sand.u32 @!p0 $0x4000, s23;
	s22 =	sadd.s32 @!p0 s25, s22;
	s24 =	sand.u32 @!p0 $0x7, s21  }
0x2a: {  	s21 =	sshrl.u32 @!p0 s21, $0x3;
	s20 =	sadd.s32 @!p0 s20, s22;
	s22 =	sshll.u32 @!p0 s24, $0x12  }
0x2b: {  	s20 =	sadd.s32 @!p0 s21, s20;
	s21 =	sor.u32 @!p0 $0x800, s22;
	s22 =	simm.s32 @!p0 $0x1800  }
0x2c: {  	[tilespmem:s23], [sflag:$0x1] =	stream.strided.gather @!p0 [hbm4b:s20+s21], $0x4000, s22, s21, $0x38;
	[tilespmem:$0x10000] =	vst v63  }
0x2d: {  	p0 =	sge.u32 s31, s5  }
.Ltmp2:
0x2e: {  	_ = 	snop;
	(pc) =	sbr.rel @p0 .LBB1_7-.Ltmp2, $1  }
0x2f: {  	_ =	sdelay $0x3  }
0x30: {  	s20 =	sand.u32 $0x4000, s10  }
0x31: {  	_ =	swait.ge [sflag:s4], $0x4000;
	s23 =	sshll.u32 s15, $0xE;
	s21 =	sor.u32 $0x400, s20  }
0x32: {  	s22 =	sor.u32 $0x8470, s20;
	[sflag:s4] =	ssyncset.done $0x0;
	s31 =	sand.u32 $0x4000, s23  }
0x33: {  	s23 =	simm.s32 $0x0;
	[sflag:s4] =	ssyncadd.s32 $0xFFFFC000;
	s20 =	sor.u32 $0x8000, s31  }
.LBB1_3:
0x34: {  	v1 =	vmov s21;
	_ =	sdelay $0x3  }
0x35: {  	s24 =	simm.s32 $0x0  }
0x36: {  	v2 =	vld.idx.msk [tilespmem:v1+s24+$0x70 ss:$0x1], $0xffff  }
0x37: {  	v0 =	vmov s22;
	v3 =	vld.idx.msk [tilespmem:v1+s24+$0xFFFFFC00 ss:$0x1], $0xffff  }
0x38: {  	v4 =	vld.idx.msk [tilespmem:v1+s24+$0xFFFFFC10 ss:$0x1], $0xffff  }
0x39: {  	v5 =	vld.idx.msk [tilespmem:v1+s24+$0xFFFFFC20 ss:$0x1], $0xffff  }
0x3a: {  	v6 =	vld.idx.msk [tilespmem:v1+s24+$0xFFFFFC30 ss:$0x1], $0xffff  }
0x3b: {  	v7 =	vld.idx.msk [tilespmem:v1+s24+$0xFFFFFC40 ss:$0x1], $0xffff  }
0x3c: {  	v8 =	vld.idx.msk [tilespmem:v1+s24+$0xFFFFFC50 ss:$0x1], $0xffff;
	[tilespmem:v0+s24+$0x0 ss:$0x1] =	vst.idx.msk $0xffff, v2  }
0x3d: {  	v9 =	vld.idx.msk [tilespmem:v1+s24+$0xFFFFFC60 ss:$0x1], $0xffff;
	[tilespmem:v0+s24+$0xFFFFFB90 ss:$0x1] =	vst.idx.msk $0xffff, v3  }
0x3e: {  	v10 =	vld.idx.msk [tilespmem:v1+s24+$0xFFFFFC70 ss:$0x1], $0xffff;
	[tilespmem:v0+s24+$0xFFFFFBA0 ss:$0x1] =	vst.idx.msk $0xffff, v4  }
0x3f: {  	v11 =	vld.idx.msk [tilespmem:v1+s24+$0x0 ss:$0x1], $0xffff;
	[tilespmem:v0+s24+$0xFFFFFBB0 ss:$0x1] =	vst.idx.msk $0xffff, v5  }
0x40: {  	[tilespmem:v0+s24+$0xFFFFFBC0 ss:$0x1] =	vst.idx.msk $0xffff, v6;
	v2 =	vld.idx.msk [tilespmem:v1+s24+$0x10 ss:$0x1], $0xffff  }
0x41: {  	[tilespmem:v0+s24+$0xFFFFFBD0 ss:$0x1] =	vst.idx.msk $0xffff, v7;
	v3 =	vld.idx.msk [tilespmem:v1+s24+$0x20 ss:$0x1], $0xffff  }
0x42: {  	[tilespmem:v0+s24+$0xFFFFFBE0 ss:$0x1] =	vst.idx.msk $0xffff, v8;
	v4 =	vld.idx.msk [tilespmem:v1+s24+$0x30 ss:$0x1], $0xffff  }
0x43: {  	[tilespmem:v0+s24+$0xFFFFFBF0 ss:$0x1] =	vst.idx.msk $0xffff, v9;
	v5 =	vld.idx.msk [tilespmem:v1+s24+$0x40 ss:$0x1], $0xffff  }
0x44: {  	[tilespmem:v0+s24+$0xFFFFFC00 ss:$0x1] =	vst.idx.msk $0xffff, v10;
	v6 =	vld.idx.msk [tilespmem:v1+s24+$0x50 ss:$0x1], $0xffff  }
0x45: {  	s25 =	simm.s32 $0x80;
	s26 =	simm.s32 $0x400;
	[tilespmem:v0+s24+$0xFFFFFF90 ss:$0x1] =	vst.idx.msk $0xffff, v11;
	v7 =	vld.idx.msk [tilespmem:v1+s24+$0x60 ss:$0x1], $0xffff  }
.LBB1_4:
0x46: {  	p0 =	sne.s32 s26, $0xE00;
	v8 =	vld.idx.msk [tilespmem:v1+s25+$0x70 ss:$0x1], $0xffff;
	[tilespmem:v0+s24+$0xFFFFFFA0 ss:$0x1] =	vst.idx.msk $0xffff, v2  }
0x47: {  	v2 =	vld.idx.msk [tilespmem:v1+s25+$0xFFFFFC00 ss:$0x1], $0xffff;
	[tilespmem:v0+s24+$0xFFFFFFB0 ss:$0x1] =	vst.idx.msk $0xffff, v3  }
0x48: {  	v3 =	vld.idx.msk [tilespmem:v1+s25+$0xFFFFFC10 ss:$0x1], $0xffff;
	[tilespmem:v0+s24+$0xFFFFFFC0 ss:$0x1] =	vst.idx.msk $0xffff, v4  }
0x49: {  	v4 =	vld.idx.msk [tilespmem:v1+s25+$0xFFFFFC20 ss:$0x1], $0xffff;
	[tilespmem:v0+s24+$0xFFFFFFD0 ss:$0x1] =	vst.idx.msk $0xffff, v5  }
0x4a: {  	v5 =	vld.idx.msk [tilespmem:v1+s25+$0xFFFFFC30 ss:$0x1], $0xffff;
	[tilespmem:v0+s24+$0xFFFFFFE0 ss:$0x1] =	vst.idx.msk $0xffff, v6  }
0x4b: {  	v6 =	vld.idx.msk [tilespmem:v1+s25+$0xFFFFFC40 ss:$0x1], $0xffff;
	[tilespmem:v0+s24+$0xFFFFFFF0 ss:$0x1] =	vst.idx.msk $0xffff, v7;
	s24 =	smov.u32 s25  }
0x4c: {  	v7 =	vld.idx.msk [tilespmem:v1+s24+$0xFFFFFC50 ss:$0x1], $0xffff;
	[tilespmem:v0+s24+$0x0 ss:$0x1] =	vst.idx.msk $0xffff, v8  }
0x4d: {  	[tilespmem:v0+s24+$0xFFFFFB90 ss:$0x1] =	vst.idx.msk $0xffff, v2;
	v8 =	vld.idx.msk [tilespmem:v1+s24+$0xFFFFFC60 ss:$0x1], $0xffff  }
0x4e: {  	[tilespmem:v0+s24+$0xFFFFFBA0 ss:$0x1] =	vst.idx.msk $0xffff, v3;
	v9 =	vld.idx.msk [tilespmem:v1+s24+$0xFFFFFC70 ss:$0x1], $0xffff  }
0x4f: {  	[tilespmem:v0+s24+$0xFFFFFBB0 ss:$0x1] =	vst.idx.msk $0xffff, v4;
	v10 =	vld.idx.msk [tilespmem:v1+s24+$0x0 ss:$0x1], $0xffff  }
0x50: {  	[tilespmem:v0+s24+$0xFFFFFBC0 ss:$0x1] =	vst.idx.msk $0xffff, v5;
	v2 =	vld.idx.msk [tilespmem:v1+s24+$0x10 ss:$0x1], $0xffff  }
.Ltmp3:
0x51: {  	[tilespmem:v0+s24+$0xFFFFFBD0 ss:$0x1] =	vst.idx.msk $0xffff, v6;
	v3 =	vld.idx.msk [tilespmem:v1+s24+$0x20 ss:$0x1], $0xffff;
	(pc) =	sbr.rel @p0 .LBB1_4-.Ltmp3, $4  }
0x52: {  	[tilespmem:v0+s24+$0xFFFFFBE0 ss:$0x1] =	vst.idx.msk $0xffff, v7;
	v4 =	vld.idx.msk [tilespmem:v1+s24+$0x30 ss:$0x1], $0xffff  }
0x53: {  	[tilespmem:v0+s24+$0xFFFFFBF0 ss:$0x1] =	vst.idx.msk $0xffff, v8;
	v5 =	vld.idx.msk [tilespmem:v1+s24+$0x40 ss:$0x1], $0xffff  }
0x54: {  	[tilespmem:v0+s24+$0xFFFFFC00 ss:$0x1] =	vst.idx.msk $0xffff, v9;
	v6 =	vld.idx.msk [tilespmem:v1+s24+$0x50 ss:$0x1], $0xffff  }
0x55: {  	s25 =	sshra.s32 s26, $0x2;
	s26 =	sadd.s32 $0x200, s26;
	[tilespmem:v0+s24+$0xFFFFFF90 ss:$0x1] =	vst.idx.msk $0xffff, v10;
	v7 =	vld.idx.msk [tilespmem:v1+s24+$0x60 ss:$0x1], $0xffff  }
0x56: {  	_ =	sdelay $0x3  }
0x57: {  	[tilespmem:v0+s24+$0xFFFFFFA0 ss:$0x1] =	vst.idx.msk $0xffff, v2  }
0x58: {  	v48 =	vld.idx.msk [tilespmem:v1+s25+$0x70 ss:$0x1], $0xffff;
	[tilespmem:v0+s24+$0xFFFFFFB0 ss:$0x1] =	vst.idx.msk $0xffff, v3  }
0x59: {  	v49 =	vld.idx.msk [tilespmem:v1+s25+$0xFFFFFC00 ss:$0x1], $0xffff;
	[tilespmem:v0+s24+$0xFFFFFFC0 ss:$0x1] =	vst.idx.msk $0xffff, v4  }
0x5a: {  	v50 =	vld.idx.msk [tilespmem:v1+s25+$0xFFFFFC10 ss:$0x1], $0xffff;
	[tilespmem:v0+s24+$0xFFFFFFD0 ss:$0x1] =	vst.idx.msk $0xffff, v5  }
0x5b: {  	v51 =	vld.idx.msk [tilespmem:v1+s25+$0xFFFFFC20 ss:$0x1], $0xffff;
	[tilespmem:v0+s24+$0xFFFFFFE0 ss:$0x1] =	vst.idx.msk $0xffff, v6  }
0x5c: {  	v52 =	vld.idx.msk [tilespmem:v1+s25+$0xFFFFFC30 ss:$0x1], $0xffff;
	[tilespmem:v0+s24+$0xFFFFFFF0 ss:$0x1] =	vst.idx.msk $0xffff, v7  }
0x5d: {  	v53 =	vld.idx.msk [tilespmem:v1+s25+$0xFFFFFC40 ss:$0x1], $0xffff;
	[tilespmem:v0+s25+$0x0 ss:$0x1] =	vst.idx.msk $0xffff, v48  }
0x5e: {  	v54 =	vld.idx.msk [tilespmem:v1+s25+$0xFFFFFC50 ss:$0x1], $0xffff;
	[tilespmem:v0+s25+$0xFFFFFB90 ss:$0x1] =	vst.idx.msk $0xffff, v49  }
0x5f: {  	v55 =	vld.idx.msk [tilespmem:v1+s25+$0xFFFFFC60 ss:$0x1], $0xffff;
	[tilespmem:v0+s25+$0xFFFFFBA0 ss:$0x1] =	vst.idx.msk $0xffff, v50  }
0x60: {  	v56 =	vld.idx.msk [tilespmem:v1+s25+$0xFFFFFC70 ss:$0x1], $0xffff;
	[tilespmem:v0+s25+$0xFFFFFBB0 ss:$0x1] =	vst.idx.msk $0xffff, v51  }
0x61: {  	v57 =	vld.idx.msk [tilespmem:v1+s25+$0x0 ss:$0x1], $0xffff;
	[tilespmem:v0+s25+$0xFFFFFBC0 ss:$0x1] =	vst.idx.msk $0xffff, v52  }
0x62: {  	v58 =	vld.idx.msk [tilespmem:v1+s25+$0x10 ss:$0x1], $0xffff;
	[tilespmem:v0+s25+$0xFFFFFBD0 ss:$0x1] =	vst.idx.msk $0xffff, v53  }
0x63: {  	v59 =	vld.idx.msk [tilespmem:v1+s25+$0x20 ss:$0x1], $0xffff;
	[tilespmem:v0+s25+$0xFFFFFBE0 ss:$0x1] =	vst.idx.msk $0xffff, v54  }
0x64: {  	v60 =	vld.idx.msk [tilespmem:v1+s25+$0x30 ss:$0x1], $0xffff;
	[tilespmem:v0+s25+$0xFFFFFBF0 ss:$0x1] =	vst.idx.msk $0xffff, v55  }
0x65: {  	v61 =	vld.idx.msk [tilespmem:v1+s25+$0x40 ss:$0x1], $0xffff;
	[tilespmem:v0+s25+$0xFFFFFC00 ss:$0x1] =	vst.idx.msk $0xffff, v56  }
0x66: {  	v62 =	vld.idx.msk [tilespmem:v1+s25+$0x50 ss:$0x1], $0xffff;
	s23 =	sadd.s32 $0x1, s23;
	[tilespmem:v0+s25+$0xFFFFFF90 ss:$0x1] =	vst.idx.msk $0xffff, v57  }
0x67: {  	v63 =	vld.idx.msk [tilespmem:v1+s25+$0x60 ss:$0x1], $0xffff;
	p0 =	sne.s32 s23, $0x8;
	[tilespmem:v0+s25+$0xFFFFFFA0 ss:$0x1] =	vst.idx.msk $0xffff, v58  }
.Ltmp4:
0x68: {  	[tilespmem:v0+s25+$0xFFFFFFB0 ss:$0x1] =	vst.idx.msk $0xffff, v59;
	(pc) =	sbr.rel @p0 .LBB1_3-.Ltmp4, $4  }
0x69: {  	[tilespmem:v0+s25+$0xFFFFFFC0 ss:$0x1] =	vst.idx.msk $0xffff, v60  }
0x6a: {  	[tilespmem:v0+s25+$0xFFFFFFD0 ss:$0x1] =	vst.idx.msk $0xffff, v61  }
0x6b: {  	[tilespmem:v0+s25+$0xFFFFFFE0 ss:$0x1] =	vst.idx.msk $0xffff, v62  }
0x6c: {  	s21 =	sadd.s32 $0x800, s21;
	s22 =	sadd.s32 $0x800, s22;
	[tilespmem:v0+s25+$0xFFFFFFF0 ss:$0x1] =	vst.idx.msk $0xffff, v63  }
0x6d: {  	s21 =	sshrl.u32 s19, $0x3  }
0x6e: {  	s22 =	sshll.u32 s17, $0x3;
	s21 =	smul.u32 $0x1800, s21  }
0x6f: {  	s27 =	sshll.u32 s19, $0x7;
	s22 =	sand.u32 $0xFFFFFC00, s22  }
0x70: {  	s19 =	sand.u32 $0x380, s27;
	s21 =	sadd.s32 s21, s22  }
0x71: {  	s28 =	sand.u32 $0x7F, s17;
	s19 =	sor.u32 s19, s21  }
0x72: {  	s17 =	sor.u32 s28, s19;
	s19 =	smulhi.u32 $0xAAAAAAAB, s19  }
0x73: {  	s29 =	smulhi.u32 $0xAAAAAAAB, s17  }
0x74: {  	s18 =	smul.u32 $0x300, s18  }
0x75: {  	s16 =	smul.u32 $0xC00, s16;
	s19 =	sshrl.u32 s19, $0x9;
	s21 =	sshrl.u32 s29, $0x9  }
0x76: {  	s19 =	sand.u32 $0x7, s19;
	s21 =	smul.u32 $0x300, s21  }
0x77: {  	s19 =	smul.u32 $0x60, s19  }
.Ltmp5:
0x78: {  	s18 =	sadd.s32 s6, s18;
	s17 =	ssub.s32 s17, s21;
	(pc) =	sbr.rel .LBB1_7-.Ltmp5, $4  }
0x79: {  	s16 =	sadd.s32 s16, s18;
	s30 =	sand.u32 $0x7, s17  }
0x7a: {  	s16 =	sadd.s32 s19, s16;
	s17 =	sshrl.u32 s17, $0x3;
	s18 =	sshll.u32 s30, $0x12  }
0x7b: {  	s16 =	sadd.s32 s17, s16;
	s31 =	sor.u32 $0x800, s18  }
0x7c: {  	[hbm4b:s16+s31] =	stream.strided.scatter [tilespmem:s20], [sflag:$0x2], $0x4000, s9, s31, $0x38;
	[tilespmem:$0x10000] =	vst v63  }
.LBB1_8:
0x7d: {  	_ =	sfence.sel $0x180000  }
0x7e: {  	s2 =	simm.s32 $0x1;
	[bflag:$0x0] =	sbarrier.arrive $0xFFFF  }
0x7f: {  	s31 =	simm.s32 $0x2;
	[sflag:s2] =	ssyncpa.u1 $0x1  }
0x80: {  	[sflag:s31] =	ssyncpa.u1 $0x1  }
0x81: {  	p0 =	sne.s32 s0, $0x0;
	_ =	strace $0x9000004A  }
0x82: {  	s0 =	sadd.s32 @!p0 $0x100000, s1;
	[bflag:$0x2] =	sbarrier.arrive $0xFFFF  }
0x83: {  	[sflag:s0] =	ssyncadd.tile.s32 @!p0 $0x1;
	_ =	shalt  }
.Lfunc_end1:
_tile_overlayer_lowered:
.L_overlay_start_2:
0x84: {  	(tag) =	ssettag $0x2  }
0x85: {  	s0 =	rddreg [dreg:$0x0];
	s2 =	stileid.u32  }
0x86: {  	s1 =	rddreg [dreg:$0x1];
	p0 =	sne.s32 s2, $0x0  }
0x87: {  	s3 =	rddreg [dreg:$0x2];
	[bflag:$0x3] =	sbarrier.arrive $0xFFFF;
	s2 =	simm.s32 @!p0 $0x1C01  }
0x88: {  	[timem:s3], [sflag:s2] =	dma.local @!p0 [hbm:s0], s1  }
0x89: {  	s0 =	simm.s32 @!p0 $0x1  }
0x8a: {  	_ =	swait.ge @!p0 [sflag:s0], s1  }
0x8b: {  	s1 =	ssub.s32 @!p0 $0x0, s1;
	[sflag:s0] =	ssyncset.done @!p0 $0x0  }
0x8c: {  	[sflag:s0] =	ssyncadd.s32 @!p0 s1  }
0x8d: {  	[bflag:$0x3] =	sbarrier.arrive $0xFFFF  }
0x8e: {  	_ =	shalt  }

// kernel: sparse-core-data-format-call.3.cloned.1.call-start
scs
called_computation.3_lowered:
.L_overlay_start_0:
0x0: {  	s2 =	sld [smem:$0x3FD9]  }
0x1: {  	s3 =	sld [smem:$0x3FFE];
	_ =	sdelay $0x1  }
0x2: {  	s1 =	srdreg.scid  }
0x3: {  	s0 =	sand.u32 $0x1, s1  }
0x4: {  	s18 =	sshll.u32 s0, $0xA;
	s2 =	sadd.s32 s3, s2  }
0x5: {  	s2 =	sadd.s32 s2, s18  }
0x6: {  	[smem:$0x3FC5] =	sst s2  }
0x7: {  	_ = 	snop  }
0x8: {  	s19 =	sld [smem:$0x3FC7];
	(tm) =	ssettm $0x1  }
0x9: {  	s20 =	sld [smem:$0x3FFB];
	_ =	sdelay $0x3  }
0xa: {  	_ =	strace s20  }
0xb: {  	s2 =	sld [smem:$0x3FFC];
	_ =	sdelay $0x3  }
0xc: {  	_ =	strace s2  }
0xd: {  	s2 =	sld [smem:$0x3FFD];
	_ =	sdelay $0x3  }
0xe: {  	_ =	strace s2  }
0xf: {  	_ =	strace $0x8FFFFFFF  }
0x10: {  	s21 =	sld [smem:$0x3FDB];
	_ =	sdelay $0x1  }
0x11: {  	s4 =	simm.s32 $_scs_section_size  }
0x12: {  	s5 =	simm.s32 $_size__tile_overlayer_lowered;
	s6 =	simm.s32 $_tile_overlayer_lowered  }
0x13: {  	s7 =	simm.s32 $0x1BFF;
	s22 =	sshll.u32 s6, $0x1;
	s4 =	sadd.s32 s4, s21  }
0x14: {  	s23 =	simm.s32 $0x0;
	s5 =	sshll.u32 s5, $0x1;
	s6 =	sadd.s32 s22, s4  }
0x15: {  	[timem:s23], [sflag:s7] =	dma.local [hbm:s6], s5  }
0x16: {  	_ =	swait.ge [sflag:s7], s5  }
0x17: {  	s5 =	ssub.s32 $0x0, s5;
	[sflag:s7] =	ssyncset.done $0x0  }
0x18: {  	[sflag:s7] =	ssyncadd.s32 s5;
	_ =	sdelay $0x1  }
0x19: {  	s24 =	simm.s32 $0x1B8B  }
0x1a: {  	_ =	swait.ge [sflag:s24], $0x1  }
0x1b: {  	[sflag:s24] =	ssyncset.done $0x0  }
0x1c: {  	[sflag:s24] =	ssyncadd.s32 $0xFFFFFFFF  }
0x1d: {  	s5 =	sld [smem:$0x0]  }
0x1e: {  	s6 =	sand.u32 $0xFFFFFFFE, s1  }
0x1f: {  	p0 =	sne.s32 s1, s6  }
0x20: {  	s6 =	sshll.u32 @p0 s6, $0xE  }
0x21: {  	s6 =	sadd.s32 @p0 $0x11B8D, s6;
	s7 =	sshll.u32 @p0 s5, $0x11  }
0x22: {  	s6 =	sor.u32 @p0 s7, s6  }
0x23: {  	[sflag:s6] =	ssyncadd.remote.s32 @p0 $0x1;
	_ =	sdelay $0x1  }
0x24: {  	s6 =	simm.s32 @p0 $0x1B8D  }
0x25: {  	_ =	swait.eq @p0 [sflag:s6], $0x1  }
0x26: {  	[sflag:s6] =	ssyncadd.s32 @p0 $0xFFFFFFFF  }
0x27: {  	s7 =	sshll.u32 @!p0 s1, $0xE  }
0x28: {  	s7 =	sor.u32 @!p0 $0x4000, s7;
	s6 =	simm.s32 @!p0 $0x1B8D  }
0x29: {  	s5 =	sshll.u32 @!p0 s5, $0x11;
	s7 =	sadd.s32 @!p0 $0x11B8D, s7;
	_ =	swait.eq @!p0 [sflag:s6], $0x1  }
0x2a: {  	s5 =	sor.u32 @!p0 s5, s7;
	[sflag:s6] =	ssyncadd.s32 @!p0 $0xFFFFFFFF  }
0x2b: {  	s26 =	simm.s32 $0x1B8E;
	s25 =	sld [smem:$0x3FFE];
	[sflag:s5] =	ssyncadd.remote.s32 @!p0 $0x1  }
0x2c: {  	s27 =	simm.s32 $execute0_lowered;
	[smem:$0x3FD2] =	sst s26  }
0x2d: {  	s6 =	sshll.u32 s27, $0x1;
	_ =	strace $0x8000004C;
	[dreg:$0x1] =	wrdreg $0xFFFFFFFF  }
0x2e: {  	s28 =	simm.s32 $_size_execute0_lowered;
	s4 =	sadd.s32 s4, s6;
	[dreg:$0x0] =	wrdreg $0x0  }
0x2f: {  	s6 =	sshll.u32 s28, $0x1;
	[dreg:$0x2] =	wrdreg s4  }
0x30: {  	[dreg:$0x3] =	wrdreg s6  }
0x31: {  	[dreg:$0x4] =	wrdreg $0xC0  }
0x32: {  	_ =	task [dreg:s23], $0x5FFFF  }
0x33: {  	[dreg:$0x1] =	wrdreg $0xFFFFFFFF  }
0x34: {  	[dreg:$0x0] =	wrdreg $0x60  }
0x35: {  	[dreg:$0x2] =	wrdreg s19  }
0x36: {  	[dreg:$0x3] =	wrdreg s25  }
0x37: {  	[dreg:$0x4] =	wrdreg $0xB  }
0x38: {  	_ =	task.clear_ibuf [dreg:s23], $0x5FFFF;
	_ =	strace $0x9000004C  }
0x39: {  	s29 =	simm.s32 $0xB;
	_ =	strace $0x8000004E  }
0x3a: {  	_ =	swait.ge [sflag:s29], $0x1  }
0x3b: {  	[sflag:s29] =	ssyncadd.s32 $0xFFFFFFFF  }
0x3c: {  	_ =	strace $0x9000004E  }
0x3d: {  	_ =	sfence  }
0x3e: {  	s30 =	sld [smem:$0x0];
	_ =	sdelay $0x2  }
0x3f: {  	s31 =	sshll.u32 s1, $0xD;
	s1 =	sshrl.u32 s1, $0x2  }
0x40: {  	s4 =	sand.u32 $0x4000, s31;
	s1 =	sadd.s32 s1, s30  }
0x41: {  	s0 =	sor.u32 s4, s0;
	s1 =	sshll.u32 s1, $0x11  }
0x42: {  	s0 =	sor.u32 s1, s0  }
0x43: {  	s0 =	sadd.s32 $0x8F2B, s0  }
0x44: {  	[sflag:s0] =	ssyncadd.remote.s32 $0x1  }
0x45: {  	_ =	sfence.sel $0xFFFF  }
0x46: {  	[dreg:$0x0] =	wrdreg $0xFFFFFFFF;
	(pc) =	sbr.abs _section_cstart, $3  }
0x47: {  	[dreg:$0x1] =	wrdreg $0xFFFFFFFF  }
0x48: {  	_ =	task.clear_ibuf [dreg:s23], $0x2FFFF;
	_ =	strace $0x9FFFFFFF  }
0x49: {  	(tm) =	ssettm $0x7FFFFFFF  }
tec
execute0_lowered:
.L_overlay_start_1:
0x0: {  	(tag) =	ssettag $0x1  }
0x1: {  	s0 =	stileid.u32;
	s3 =	rddreg [dreg:$0x0]  }
0x2: {  	s1 =	srdreg.scid;
	s6 =	rddreg [dreg:$0x1]  }
0x3: {  	s8 =	simm.s32 $0x2;
	s2 =	sshll.u32 s0, $0x1;
	s1 =	sshll.u32 s1, $0x5  }
0x4: {  	s17 =	simm.s32 $0x0;
	s9 =	simm.s32 $0x6000;
	s1 =	sor.u32 s2, s1  }
0x5: {  	s10 =	simm.s32 $0x0;
	s19 =	simm.s32 $0x0;
	s2 =	sand.u32 $0x38, s1  }
0x6: {  	s16 =	simm.s32 $0x0;
	s18 =	simm.s32 $0x0;
	s1 =	ssub.s32 $0x200, s2  }
0x7: {  	s11 =	simm.s32 $0x0;
	s12 =	simm.s32 $0x0;
	s4 =	sand.u32 $0x38, s1  }
0x8: {  	s15 =	simm.s32 $0x0;
	p0 =	sne.s32 s4, $0x0;
	s4 =	simm.s32 $0x1  }
.Ltmp0:
0x9: {  	s5 =	sshrl.u32 s1, $0x6;
	s4 =	simm.s32 @!p0 $0x0;
	(pc) =	sbr.rel .LBB1_1-.Ltmp0, $4  }
0xa: {  	s7 =	sand.u32 $0x3, s0;
	s1 =	rddreg [dreg:$0x2];
	s5 =	sadd.s32 s4, s5  }
0xb: {  	_ =	strace $0x8000004D;
	s4 =	simm.s32 $0x1;
	s5 =	smul.u32 $0x3, s5  }
0xc: {  	s6 =	sadd.s32 $0x301600, s6;
	s14 =	smov.u32 s7;
	[sflag:s4] =	ssyncpa.u1 $0x0  }
0xd: {  	s13 =	smov.u32 s2;
	[sflag:s8] =	ssyncpa.u1 $0x0;
	s8 =	sadd.s32 $0x1, s5  }
.LBB1_7:
0xe: {  	s20 =	sadd.s32 $0x100, s11  }
0xf: {  	s16 =	sadd.s32 $0x8, s12;
	s21 =	smov.u32 s12;
	p1 =	sgt.s32 s20, $0x2FF  }
0x10: {  	s21 =	smov.u32 @p1 s16  }
0x11: {  	s22 =	smov.u32 s13;
	s16 =	sadd.s32 $0x40, s13;
	p2 =	sgt.s32 s21, $0x7  }
0x12: {  	s22 =	smov.u32 @p2 s16  }
0x13: {  	s23 =	smov.u32 s14;
	s16 =	sadd.s32 $0x4, s14;
	p3 =	sgt.s32 s22, $0x1FF  }
0x14: {  	p0 =	slt.u32 s15, $0x2;
	s23 =	smov.u32 @p3 s16  }
0x15: {  	s17 =	smov.u32 s11;
	s20 =	simm.s32 @p1 $0x0;
	p1 =	sgt.s32 s23, $0x3  }
0x16: {  	s24 =	simm.s32 @!p0 $0x2;
	s23 =	smov.u32 @p1 s7;
	p1 =	sne.s32 s15, s8  }
.Ltmp1:
0x17: {  	s19 =	smov.u32 s12;
	_ =	swait.ge @!p0 [sflag:s24], $0x4000;
	(pc) =	sbr.rel @!p1 .LBB1_8-.Ltmp1, $4  }
0x18: {  	s18 =	smov.u32 s14;
	s10 =	sadd.s32 $0x4000, s10;
	[sflag:s24] =	ssyncset.done @!p0 $0x0  }
0x19: {  	s11 =	smov.u32 s20;
	s21 =	simm.s32 @p2 $0x0;
	[sflag:s24] =	ssyncadd.s32 @!p0 $0xFFFFC000  }
0x1a: {  	s12 =	smov.u32 s21;
	s22 =	smov.u32 @p3 s2;
	s16 =	smov.u32 s13  }
0x1b: {  	s13 =	smov.u32 s22;
	s15 =	sadd.s32 $0x1, s15;
	s14 =	smov.u32 s23  }
.LBB1_1:
0x1c: {  	p0 =	sge.u32 s15, s5  }
0x1d: {  	s20 =	sshrl.u32 @!p0 s12, $0x3  }
0x1e: {  	s21 =	sshll.u32 @!p0 s11, $0x3;
	s20 =	smul.u32 @!p0 $0x1800, s20  }
0x1f: {  	s22 =	sshll.u32 @!p0 s12, $0x7;
	s21 =	sand.u32 @!p0 $0xFFFFFC00, s21  }
0x20: {  	s20 =	sadd.s32 @!p0 s20, s21;
	s21 =	sand.u32 @!p0 $0x380, s22  }
0x21: {  	s22 =	sand.u32 @!p0 $0x7F, s11;
	s20 =	sor.u32 @!p0 s21, s20  }
0x22: {  	s21 =	sor.u32 @!p0 s22, s20  }
0x23: {  	s22 =	smulhi.u32 @!p0 $0xAAAAAAAB, s21  }
0x24: {  	s20 =	smulhi.u32 @!p0 $0xAAAAAAAB, s20  }
0x25: {  	s31 =	sadd.s32 $0xFFFFFFFF, s15;
	s24 =	smul.u32 @!p0 $0x60000, s14;
	s22 =	sshrl.u32 @!p0 s22, $0x9  }
0x26: {  	s23 =	sxor.u32 @!p0 $0xFFFFFFFF, s15;
	s20 =	sshrl.u32 @!p0 s20, $0x9;
	s22 =	smul.u32 @!p0 $0x300, s22  }
0x27: {  	s25 =	smul.u32 @!p0 $0x300, s13;
	s23 =	sshll.u32 @!p0 s23, $0xE;
	s20 =	sand.u32 @!p0 $0x7, s20  }
0x28: {  	s20 =	smul.u32 @!p0 $0x60, s20;
	s21 =	ssub.s32 @!p0 s21, s22;
	s22 =	sadd.s32 @!p0 s3, s24  }
0x29: {  	s23 =	sand.u32 @!p0 $0x4000, s23;
	s22 =	sadd.s32 @!p0 s25, s22;
	s24 =	sand.u32 @!p0 $0x7, s21  }
0x2a: {  	s21 =	sshrl.u32 @!p0 s21, $0x3;
	s20 =	sadd.s32 @!p0 s20, s22;
	s22 =	sshll.u32 @!p0 s24, $0x12  }
0x2b: {  	s20 =	sadd.s32 @!p0 s21, s20;
	s21 =	sor.u32 @!p0 $0x800, s22;
	s22 =	simm.s32 @!p0 $0x1800  }
0x2c: {  	[tilespmem:s23], [sflag:$0x1] =	stream.strided.gather @!p0 [hbm4b:s20+s21], $0x4000, s22, s21, $0x38;
	[tilespmem:$0x10000] =	vst v63  }
0x2d: {  	p0 =	sge.u32 s31, s5  }
.Ltmp2:
0x2e: {  	_ = 	snop;
	(pc) =	sbr.rel @p0 .LBB1_7-.Ltmp2, $1  }
0x2f: {  	_ =	sdelay $0x3  }
0x30: {  	s20 =	sand.u32 $0x4000, s10  }
0x31: {  	_ =	swait.ge [sflag:s4], $0x4000;
	s23 =	sshll.u32 s15, $0xE;
	s21 =	sor.u32 $0x400, s20  }
0x32: {  	s22 =	sor.u32 $0x8470, s20;
	[sflag:s4] =	ssyncset.done $0x0;
	s31 =	sand.u32 $0x4000, s23  }
0x33: {  	s23 =	simm.s32 $0x0;
	[sflag:s4] =	ssyncadd.s32 $0xFFFFC000;
	s20 =	sor.u32 $0x8000, s31  }
.LBB1_3:
0x34: {  	v1 =	vmov s21;
	_ =	sdelay $0x3  }
0x35: {  	s24 =	simm.s32 $0x0  }
0x36: {  	v2 =	vld.idx.msk [tilespmem:v1+s24+$0x70 ss:$0x1], $0xffff  }
0x37: {  	v0 =	vmov s22;
	v3 =	vld.idx.msk [tilespmem:v1+s24+$0xFFFFFC00 ss:$0x1], $0xffff  }
0x38: {  	v4 =	vld.idx.msk [tilespmem:v1+s24+$0xFFFFFC10 ss:$0x1], $0xffff  }
0x39: {  	v5 =	vld.idx.msk [tilespmem:v1+s24+$0xFFFFFC20 ss:$0x1], $0xffff  }
0x3a: {  	v6 =	vld.idx.msk [tilespmem:v1+s24+$0xFFFFFC30 ss:$0x1], $0xffff  }
0x3b: {  	v7 =	vld.idx.msk [tilespmem:v1+s24+$0xFFFFFC40 ss:$0x1], $0xffff  }
0x3c: {  	v8 =	vld.idx.msk [tilespmem:v1+s24+$0xFFFFFC50 ss:$0x1], $0xffff;
	[tilespmem:v0+s24+$0x0 ss:$0x1] =	vst.idx.msk $0xffff, v2  }
0x3d: {  	v9 =	vld.idx.msk [tilespmem:v1+s24+$0xFFFFFC60 ss:$0x1], $0xffff;
	[tilespmem:v0+s24+$0xFFFFFB90 ss:$0x1] =	vst.idx.msk $0xffff, v3  }
0x3e: {  	v10 =	vld.idx.msk [tilespmem:v1+s24+$0xFFFFFC70 ss:$0x1], $0xffff;
	[tilespmem:v0+s24+$0xFFFFFBA0 ss:$0x1] =	vst.idx.msk $0xffff, v4  }
0x3f: {  	v11 =	vld.idx.msk [tilespmem:v1+s24+$0x0 ss:$0x1], $0xffff;
	[tilespmem:v0+s24+$0xFFFFFBB0 ss:$0x1] =	vst.idx.msk $0xffff, v5  }
0x40: {  	[tilespmem:v0+s24+$0xFFFFFBC0 ss:$0x1] =	vst.idx.msk $0xffff, v6;
	v2 =	vld.idx.msk [tilespmem:v1+s24+$0x10 ss:$0x1], $0xffff  }
0x41: {  	[tilespmem:v0+s24+$0xFFFFFBD0 ss:$0x1] =	vst.idx.msk $0xffff, v7;
	v3 =	vld.idx.msk [tilespmem:v1+s24+$0x20 ss:$0x1], $0xffff  }
0x42: {  	[tilespmem:v0+s24+$0xFFFFFBE0 ss:$0x1] =	vst.idx.msk $0xffff, v8;
	v4 =	vld.idx.msk [tilespmem:v1+s24+$0x30 ss:$0x1], $0xffff  }
0x43: {  	[tilespmem:v0+s24+$0xFFFFFBF0 ss:$0x1] =	vst.idx.msk $0xffff, v9;
	v5 =	vld.idx.msk [tilespmem:v1+s24+$0x40 ss:$0x1], $0xffff  }
0x44: {  	[tilespmem:v0+s24+$0xFFFFFC00 ss:$0x1] =	vst.idx.msk $0xffff, v10;
	v6 =	vld.idx.msk [tilespmem:v1+s24+$0x50 ss:$0x1], $0xffff  }
0x45: {  	s25 =	simm.s32 $0x80;
	s26 =	simm.s32 $0x400;
	[tilespmem:v0+s24+$0xFFFFFF90 ss:$0x1] =	vst.idx.msk $0xffff, v11;
	v7 =	vld.idx.msk [tilespmem:v1+s24+$0x60 ss:$0x1], $0xffff  }
.LBB1_4:
0x46: {  	p0 =	sne.s32 s26, $0xE00;
	v8 =	vld.idx.msk [tilespmem:v1+s25+$0x70 ss:$0x1], $0xffff;
	[tilespmem:v0+s24+$0xFFFFFFA0 ss:$0x1] =	vst.idx.msk $0xffff, v2  }
0x47: {  	v2 =	vld.idx.msk [tilespmem:v1+s25+$0xFFFFFC00 ss:$0x1], $0xffff;
	[tilespmem:v0+s24+$0xFFFFFFB0 ss:$0x1] =	vst.idx.msk $0xffff, v3  }
0x48: {  	v3 =	vld.idx.msk [tilespmem:v1+s25+$0xFFFFFC10 ss:$0x1], $0xffff;
	[tilespmem:v0+s24+$0xFFFFFFC0 ss:$0x1] =	vst.idx.msk $0xffff, v4  }
0x49: {  	v4 =	vld.idx.msk [tilespmem:v1+s25+$0xFFFFFC20 ss:$0x1], $0xffff;
	[tilespmem:v0+s24+$0xFFFFFFD0 ss:$0x1] =	vst.idx.msk $0xffff, v5  }
0x4a: {  	v5 =	vld.idx.msk [tilespmem:v1+s25+$0xFFFFFC30 ss:$0x1], $0xffff;
	[tilespmem:v0+s24+$0xFFFFFFE0 ss:$0x1] =	vst.idx.msk $0xffff, v6  }
0x4b: {  	v6 =	vld.idx.msk [tilespmem:v1+s25+$0xFFFFFC40 ss:$0x1], $0xffff;
	[tilespmem:v0+s24+$0xFFFFFFF0 ss:$0x1] =	vst.idx.msk $0xffff, v7;
	s24 =	smov.u32 s25  }
0x4c: {  	v7 =	vld.idx.msk [tilespmem:v1+s24+$0xFFFFFC50 ss:$0x1], $0xffff;
	[tilespmem:v0+s24+$0x0 ss:$0x1] =	vst.idx.msk $0xffff, v8  }
0x4d: {  	[tilespmem:v0+s24+$0xFFFFFB90 ss:$0x1] =	vst.idx.msk $0xffff, v2;
	v8 =	vld.idx.msk [tilespmem:v1+s24+$0xFFFFFC60 ss:$0x1], $0xffff  }
0x4e: {  	[tilespmem:v0+s24+$0xFFFFFBA0 ss:$0x1] =	vst.idx.msk $0xffff, v3;
	v9 =	vld.idx.msk [tilespmem:v1+s24+$0xFFFFFC70 ss:$0x1], $0xffff  }
0x4f: {  	[tilespmem:v0+s24+$0xFFFFFBB0 ss:$0x1] =	vst.idx.msk $0xffff, v4;
	v10 =	vld.idx.msk [tilespmem:v1+s24+$0x0 ss:$0x1], $0xffff  }
0x50: {  	[tilespmem:v0+s24+$0xFFFFFBC0 ss:$0x1] =	vst.idx.msk $0xffff, v5;
	v2 =	vld.idx.msk [tilespmem:v1+s24+$0x10 ss:$0x1], $0xffff  }
.Ltmp3:
0x51: {  	[tilespmem:v0+s24+$0xFFFFFBD0 ss:$0x1] =	vst.idx.msk $0xffff, v6;
	v3 =	vld.idx.msk [tilespmem:v1+s24+$0x20 ss:$0x1], $0xffff;
	(pc) =	sbr.rel @p0 .LBB1_4-.Ltmp3, $4  }
0x52: {  	[tilespmem:v0+s24+$0xFFFFFBE0 ss:$0x1] =	vst.idx.msk $0xffff, v7;
	v4 =	vld.idx.msk [tilespmem:v1+s24+$0x30 ss:$0x1], $0xffff  }
0x53: {  	[tilespmem:v0+s24+$0xFFFFFBF0 ss:$0x1] =	vst.idx.msk $0xffff, v8;
	v5 =	vld.idx.msk [tilespmem:v1+s24+$0x40 ss:$0x1], $0xffff  }
0x54: {  	[tilespmem:v0+s24+$0xFFFFFC00 ss:$0x1] =	vst.idx.msk $0xffff, v9;
	v6 =	vld.idx.msk [tilespmem:v1+s24+$0x50 ss:$0x1], $0xffff  }
0x55: {  	s25 =	sshra.s32 s26, $0x2;
	s26 =	sadd.s32 $0x200, s26;
	[tilespmem:v0+s24+$0xFFFFFF90 ss:$0x1] =	vst.idx.msk $0xffff, v10;
	v7 =	vld.idx.msk [tilespmem:v1+s24+$0x60 ss:$0x1], $0xffff  }
0x56: {  	_ =	sdelay $0x3  }
0x57: {  	[tilespmem:v0+s24+$0xFFFFFFA0 ss:$0x1] =	vst.idx.msk $0xffff, v2  }
0x58: {  	v48 =	vld.idx.msk [tilespmem:v1+s25+$0x70 ss:$0x1], $0xffff;
	[tilespmem:v0+s24+$0xFFFFFFB0 ss:$0x1] =	vst.idx.msk $0xffff, v3  }
0x59: {  	v49 =	vld.idx.msk [tilespmem:v1+s25+$0xFFFFFC00 ss:$0x1], $0xffff;
	[tilespmem:v0+s24+$0xFFFFFFC0 ss:$0x1] =	vst.idx.msk $0xffff, v4  }
0x5a: {  	v50 =	vld.idx.msk [tilespmem:v1+s25+$0xFFFFFC10 ss:$0x1], $0xffff;
	[tilespmem:v0+s24+$0xFFFFFFD0 ss:$0x1] =	vst.idx.msk $0xffff, v5  }
0x5b: {  	v51 =	vld.idx.msk [tilespmem:v1+s25+$0xFFFFFC20 ss:$0x1], $0xffff;
	[tilespmem:v0+s24+$0xFFFFFFE0 ss:$0x1] =	vst.idx.msk $0xffff, v6  }
0x5c: {  	v52 =	vld.idx.msk [tilespmem:v1+s25+$0xFFFFFC30 ss:$0x1], $0xffff;
	[tilespmem:v0+s24+$0xFFFFFFF0 ss:$0x1] =	vst.idx.msk $0xffff, v7  }
0x5d: {  	v53 =	vld.idx.msk [tilespmem:v1+s25+$0xFFFFFC40 ss:$0x1], $0xffff;
	[tilespmem:v0+s25+$0x0 ss:$0x1] =	vst.idx.msk $0xffff, v48  }
0x5e: {  	v54 =	vld.idx.msk [tilespmem:v1+s25+$0xFFFFFC50 ss:$0x1], $0xffff;
	[tilespmem:v0+s25+$0xFFFFFB90 ss:$0x1] =	vst.idx.msk $0xffff, v49  }
0x5f: {  	v55 =	vld.idx.msk [tilespmem:v1+s25+$0xFFFFFC60 ss:$0x1], $0xffff;
	[tilespmem:v0+s25+$0xFFFFFBA0 ss:$0x1] =	vst.idx.msk $0xffff, v50  }
0x60: {  	v56 =	vld.idx.msk [tilespmem:v1+s25+$0xFFFFFC70 ss:$0x1], $0xffff;
	[tilespmem:v0+s25+$0xFFFFFBB0 ss:$0x1] =	vst.idx.msk $0xffff, v51  }
0x61: {  	v57 =	vld.idx.msk [tilespmem:v1+s25+$0x0 ss:$0x1], $0xffff;
	[tilespmem:v0+s25+$0xFFFFFBC0 ss:$0x1] =	vst.idx.msk $0xffff, v52  }
0x62: {  	v58 =	vld.idx.msk [tilespmem:v1+s25+$0x10 ss:$0x1], $0xffff;
	[tilespmem:v0+s25+$0xFFFFFBD0 ss:$0x1] =	vst.idx.msk $0xffff, v53  }
0x63: {  	v59 =	vld.idx.msk [tilespmem:v1+s25+$0x20 ss:$0x1], $0xffff;
	[tilespmem:v0+s25+$0xFFFFFBE0 ss:$0x1] =	vst.idx.msk $0xffff, v54  }
0x64: {  	v60 =	vld.idx.msk [tilespmem:v1+s25+$0x30 ss:$0x1], $0xffff;
	[tilespmem:v0+s25+$0xFFFFFBF0 ss:$0x1] =	vst.idx.msk $0xffff, v55  }
0x65: {  	v61 =	vld.idx.msk [tilespmem:v1+s25+$0x40 ss:$0x1], $0xffff;
	[tilespmem:v0+s25+$0xFFFFFC00 ss:$0x1] =	vst.idx.msk $0xffff, v56  }
0x66: {  	v62 =	vld.idx.msk [tilespmem:v1+s25+$0x50 ss:$0x1], $0xffff;
	s23 =	sadd.s32 $0x1, s23;
	[tilespmem:v0+s25+$0xFFFFFF90 ss:$0x1] =	vst.idx.msk $0xffff, v57  }
0x67: {  	v63 =	vld.idx.msk [tilespmem:v1+s25+$0x60 ss:$0x1], $0xffff;
	p0 =	sne.s32 s23, $0x8;
	[tilespmem:v0+s25+$0xFFFFFFA0 ss:$0x1] =	vst.idx.msk $0xffff, v58  }
.Ltmp4:
0x68: {  	[tilespmem:v0+s25+$0xFFFFFFB0 ss:$0x1] =	vst.idx.msk $0xffff, v59;
	(pc) =	sbr.rel @p0 .LBB1_3-.Ltmp4, $4  }
0x69: {  	[tilespmem:v0+s25+$0xFFFFFFC0 ss:$0x1] =	vst.idx.msk $0xffff, v60  }
0x6a: {  	[tilespmem:v0+s25+$0xFFFFFFD0 ss:$0x1] =	vst.idx.msk $0xffff, v61  }
0x6b: {  	[tilespmem:v0+s25+$0xFFFFFFE0 ss:$0x1] =	vst.idx.msk $0xffff, v62  }
0x6c: {  	s21 =	sadd.s32 $0x800, s21;
	s22 =	sadd.s32 $0x800, s22;
	[tilespmem:v0+s25+$0xFFFFFFF0 ss:$0x1] =	vst.idx.msk $0xffff, v63  }
0x6d: {  	s21 =	sshrl.u32 s19, $0x3  }
0x6e: {  	s22 =	sshll.u32 s17, $0x3;
	s21 =	smul.u32 $0x1800, s21  }
0x6f: {  	s27 =	sshll.u32 s19, $0x7;
	s22 =	sand.u32 $0xFFFFFC00, s22  }
0x70: {  	s19 =	sand.u32 $0x380, s27;
	s21 =	sadd.s32 s21, s22  }
0x71: {  	s28 =	sand.u32 $0x7F, s17;
	s19 =	sor.u32 s19, s21  }
0x72: {  	s17 =	sor.u32 s28, s19;
	s19 =	smulhi.u32 $0xAAAAAAAB, s19  }
0x73: {  	s29 =	smulhi.u32 $0xAAAAAAAB, s17  }
0x74: {  	s18 =	smul.u32 $0x300, s18  }
0x75: {  	s16 =	smul.u32 $0xC00, s16;
	s19 =	sshrl.u32 s19, $0x9;
	s21 =	sshrl.u32 s29, $0x9  }
0x76: {  	s19 =	sand.u32 $0x7, s19;
	s21 =	smul.u32 $0x300, s21  }
0x77: {  	s19 =	smul.u32 $0x60, s19  }
.Ltmp5:
0x78: {  	s18 =	sadd.s32 s6, s18;
	s17 =	ssub.s32 s17, s21;
	(pc) =	sbr.rel .LBB1_7-.Ltmp5, $4  }
0x79: {  	s16 =	sadd.s32 s16, s18;
	s30 =	sand.u32 $0x7, s17  }
0x7a: {  	s16 =	sadd.s32 s19, s16;
	s17 =	sshrl.u32 s17, $0x3;
	s18 =	sshll.u32 s30, $0x12  }
0x7b: {  	s16 =	sadd.s32 s17, s16;
	s31 =	sor.u32 $0x800, s18  }
0x7c: {  	[hbm4b:s16+s31] =	stream.strided.scatter [tilespmem:s20], [sflag:$0x2], $0x4000, s9, s31, $0x38;
	[tilespmem:$0x10000] =	vst v63  }
.LBB1_8:
0x7d: {  	_ =	sfence.sel $0x180000  }
0x7e: {  	s2 =	simm.s32 $0x1;
	[bflag:$0x0] =	sbarrier.arrive $0xFFFF  }
0x7f: {  	s31 =	simm.s32 $0x2;
	[sflag:s2] =	ssyncpa.u1 $0x1  }
0x80: {  	[sflag:s31] =	ssyncpa.u1 $0x1  }
0x81: {  	p0 =	sne.s32 s0, $0x0;
	_ =	strace $0x9000004D  }
0x82: {  	s0 =	sadd.s32 @!p0 $0x100000, s1;
	[bflag:$0x2] =	sbarrier.arrive $0xFFFF  }
0x83: {  	[sflag:s0] =	ssyncadd.tile.s32 @!p0 $0x1;
	_ =	shalt  }
.Lfunc_end1:
_tile_overlayer_lowered:
.L_overlay_start_2:
0x84: {  	(tag) =	ssettag $0x2  }
0x85: {  	s0 =	rddreg [dreg:$0x0];
	s2 =	stileid.u32  }
0x86: {  	s1 =	rddreg [dreg:$0x1];
	p0 =	sne.s32 s2, $0x0  }
0x87: {  	s3 =	rddreg [dreg:$0x2];
	[bflag:$0x3] =	sbarrier.arrive $0xFFFF;
	s2 =	simm.s32 @!p0 $0x1C01  }
0x88: {  	[timem:s3], [sflag:s2] =	dma.local @!p0 [hbm:s0], s1  }
0x89: {  	s0 =	simm.s32 @!p0 $0x1  }
0x8a: {  	_ =	swait.ge @!p0 [sflag:s0], s1  }
0x8b: {  	s1 =	ssub.s32 @!p0 $0x0, s1;
	[sflag:s0] =	ssyncset.done @!p0 $0x0  }
0x8c: {  	[sflag:s0] =	ssyncadd.s32 @!p0 s1  }
0x8d: {  	[bflag:$0x3] =	sbarrier.arrive $0xFFFF  }
0x8e: {  	_ =	shalt  }

// kernel: sparse-core-data-format-call.cloned.1.call-start
scs
called_computation_lowered:
.L_overlay_start_0:
0x0: {  	s2 =	sld [smem:$0x3FD9]  }
0x1: {  	s3 =	sld [smem:$0x3FFE];
	_ =	sdelay $0x1  }
0x2: {  	s1 =	srdreg.scid  }
0x3: {  	s0 =	sand.u32 $0x1, s1  }
0x4: {  	s18 =	sshll.u32 s0, $0xA;
	s2 =	sadd.s32 s3, s2  }
0x5: {  	s2 =	sadd.s32 s2, s18  }
0x6: {  	[smem:$0x3FC5] =	sst s2  }
0x7: {  	_ = 	snop  }
0x8: {  	s2 =	sld [smem:$0x3FD0];
	(tm) =	ssettm $0x1  }
0x9: {  	s19 =	sld [smem:$0x3FFB];
	_ =	sdelay $0x3  }
0xa: {  	_ =	strace s19  }
0xb: {  	s3 =	sld [smem:$0x3FFC];
	_ =	sdelay $0x3  }
0xc: {  	_ =	strace s3  }
0xd: {  	s3 =	sld [smem:$0x3FFD];
	_ =	sdelay $0x3  }
0xe: {  	_ =	strace s3  }
0xf: {  	_ =	strace $0x8FFFFFFF  }
0x10: {  	s20 =	sld [smem:$0x3FDB];
	_ =	sdelay $0x1  }
0x11: {  	s4 =	simm.s32 $_scs_section_size  }
0x12: {  	s5 =	simm.s32 $_size__tile_overlayer_lowered;
	s6 =	simm.s32 $_tile_overlayer_lowered  }
0x13: {  	s23 =	simm.s32 $0x1BFF;
	s22 =	sshll.u32 s6, $0x1;
	s3 =	sadd.s32 s4, s20  }
0x14: {  	s7 =	simm.s32 $0x0;
	s21 =	sshll.u32 s5, $0x1;
	s5 =	sadd.s32 s22, s3  }
0x15: {  	[timem:s7], [sflag:s23] =	dma.local [hbm:s5], s21  }
0x16: {  	_ =	swait.ge [sflag:s23], s21  }
0x17: {  	s4 =	ssub.s32 $0x0, s21;
	[sflag:s23] =	ssyncset.done $0x0  }
0x18: {  	[sflag:s23] =	ssyncadd.s32 s4;
	_ =	sdelay $0x1  }
0x19: {  	s24 =	simm.s32 $0x1B8B  }
0x1a: {  	_ =	swait.ge [sflag:s24], $0x1  }
0x1b: {  	[sflag:s24] =	ssyncset.done $0x0  }
0x1c: {  	s26 =	simm.s32 $0x1B8E;
	s25 =	sld [smem:$0x3FFE];
	[sflag:s24] =	ssyncadd.s32 $0xFFFFFFFF  }
0x1d: {  	s27 =	simm.s32 $execute0_lowered;
	[smem:$0x3FD2] =	sst s26  }
0x1e: {  	s5 =	sshll.u32 s27, $0x1;
	_ =	strace $0x8000004F;
	[dreg:$0x1] =	wrdreg $0xFFFFFFFF  }
0x1f: {  	s28 =	simm.s32 $_size_execute0_lowered;
	s3 =	sadd.s32 s3, s5;
	[dreg:$0x0] =	wrdreg $0x0  }
0x20: {  	s5 =	sshll.u32 s28, $0x1;
	[dreg:$0x2] =	wrdreg s3  }
0x21: {  	[dreg:$0x3] =	wrdreg s5  }
0x22: {  	[dreg:$0x4] =	wrdreg $0xC0  }
0x23: {  	_ =	task [dreg:s7], $0x5FFFF  }
0x24: {  	[dreg:$0x1] =	wrdreg $0xFFFFFFFF  }
0x25: {  	[dreg:$0x0] =	wrdreg $0x60  }
0x26: {  	[dreg:$0x2] =	wrdreg s25  }
0x27: {  	[dreg:$0x3] =	wrdreg s2  }
0x28: {  	[dreg:$0x4] =	wrdreg $0x9  }
0x29: {  	_ =	task.clear_ibuf [dreg:s7], $0x5FFFF;
	_ =	strace $0x9000004F  }
0x2a: {  	s29 =	simm.s32 $0x9;
	_ =	strace $0x80000051  }
0x2b: {  	_ =	swait.ge [sflag:s29], $0x1  }
0x2c: {  	[sflag:s29] =	ssyncadd.s32 $0xFFFFFFFF  }
0x2d: {  	_ =	strace $0x90000051  }
0x2e: {  	_ =	sfence  }
0x2f: {  	s30 =	sld [smem:$0x0];
	_ =	sdelay $0x2  }
0x30: {  	s31 =	sshll.u32 s1, $0xD;
	s1 =	sshrl.u32 s1, $0x2  }
0x31: {  	s3 =	sand.u32 $0x4000, s31;
	s1 =	sadd.s32 s1, s30  }
0x32: {  	s0 =	sor.u32 s3, s0;
	s1 =	sshll.u32 s1, $0x11  }
0x33: {  	s0 =	sor.u32 s1, s0  }
0x34: {  	s0 =	sadd.s32 $0x8F2B, s0  }
0x35: {  	[sflag:s0] =	ssyncadd.remote.s32 $0x1  }
0x36: {  	_ =	sfence.sel $0xFFFF  }
0x37: {  	[dreg:$0x0] =	wrdreg $0xFFFFFFFF;
	(pc) =	sbr.abs _section_cstart, $3  }
0x38: {  	[dreg:$0x1] =	wrdreg $0xFFFFFFFF  }
0x39: {  	_ =	task.clear_ibuf [dreg:s7], $0x2FFFF;
	_ =	strace $0x9FFFFFFF  }
0x3a: {  	(tm) =	ssettm $0x7FFFFFFF  }
0x3b: {  	_ =	shalt  }
tec
execute0_lowered:
.L_overlay_start_1:
0x0: {  	(tag) =	ssettag $0x1  }
0x1: {  	s0 =	srdreg.scid  }
0x2: {  	s6 =	rddreg [dreg:$0x0];
	s1 =	sshll.u32 s0, $0x4  }
0x3: {  	s4 =	simm.s32 $0x1;
	s0 =	stileid.u32;
	s1 =	sand.u32 $0x10, s1  }
0x4: {  	s7 =	simm.s32 $0x2;
	s16 =	simm.s32 $0x0;
	s1 =	sor.u32 s0, s1  }
0x5: {  	s8 =	simm.s32 $0x1800;
	s9 =	simm.s32 $0x0;
	s2 =	sshll.u32 s1, $0x3  }
0x6: {  	s18 =	simm.s32 $0x0;
	s15 =	simm.s32 $0x0;
	s1 =	ssub.s32 $0x200, s2  }
0x7: {  	s17 =	simm.s32 $0x0;
	s10 =	simm.s32 $0x0;
	s3 =	sand.u32 $0xF8, s1  }
0x8: {  	s11 =	simm.s32 $0x0;
	s5 =	sshrl.u32 s1, $0x8;
	p0 =	sne.s32 s3, $0x0  }
.Ltmp0:
0x9: {  	s1 =	rddreg [dreg:$0x2];
	s4 =	simm.s32 @!p0 $0x0;
	(pc) =	sbr.rel .LBB1_1-.Ltmp0, $4  }
0xa: {  	s12 =	simm.s32 $0x0;
	s3 =	rddreg [dreg:$0x1];
	s5 =	sadd.s32 s4, s5  }
0xb: {  	_ =	strace $0x80000050;
	s4 =	simm.s32 $0x1;
	s5 =	smul.u32 $0xC, s5  }
0xc: {  	s14 =	simm.s32 $0x0;
	s6 =	sadd.s32 $0x1600, s6;
	[sflag:s4] =	ssyncpa.u1 $0x0  }
0xd: {  	s13 =	smov.u32 s2;
	[sflag:s7] =	ssyncpa.u1 $0x0;
	s7 =	sor.u32 $0x1, s5  }
.LBB1_7:
0xe: {  	s19 =	sadd.s32 $0x100, s10  }
0xf: {  	s15 =	sadd.s32 $0x8, s11;
	s20 =	smov.u32 s11;
	p1 =	sgt.s32 s19, $0x2FF  }
0x10: {  	s20 =	smov.u32 @p1 s15  }
0x11: {  	s15 =	simm.s32 $0x1;
	p2 =	sgt.s32 s20, $0x7  }
0x12: {  	s15 =	simm.s32 @!p2 $0x0  }
0x13: {  	s21 =	sadd.s32 s15, s12  }
0x14: {  	s22 =	smov.u32 s13;
	s15 =	sadd.s32 $0x100, s13;
	p3 =	sgt.s32 s21, $0x3  }
0x15: {  	p0 =	slt.u32 s14, $0x2;
	s22 =	smov.u32 @p3 s15  }
0x16: {  	s16 =	smov.u32 s10;
	s19 =	simm.s32 @p1 $0x0;
	p1 =	sgt.s32 s22, $0x1FF  }
0x17: {  	s23 =	simm.s32 @!p0 $0x2;
	s22 =	smov.u32 @p1 s2;
	p1 =	sne.s32 s14, s7  }
.Ltmp1:
0x18: {  	s18 =	smov.u32 s11;
	_ =	swait.ge @!p0 [sflag:s23], $0x4000;
	(pc) =	sbr.rel @!p1 .LBB1_8-.Ltmp1, $4  }
0x19: {  	s17 =	smov.u32 s13;
	s9 =	sadd.s32 $0x4000, s9;
	[sflag:s23] =	ssyncset.done @!p0 $0x0  }
0x1a: {  	s10 =	smov.u32 s19;
	s20 =	simm.s32 @p2 $0x0;
	[sflag:s23] =	ssyncadd.s32 @!p0 $0xFFFFC000  }
0x1b: {  	s11 =	smov.u32 s20;
	s21 =	simm.s32 @p3 $0x0;
	s15 =	smov.u32 s12  }
0x1c: {  	s12 =	smov.u32 s21;
	s14 =	sadd.s32 $0x1, s14;
	s13 =	smov.u32 s22  }
.LBB1_1:
0x1d: {  	p0 =	sge.u32 s14, s5  }
0x1e: {  	s19 =	sshrl.u32 @!p0 s11, $0x3  }
0x1f: {  	s20 =	sshll.u32 @!p0 s10, $0x3;
	s19 =	smul.u32 @!p0 $0x1800, s19  }
0x20: {  	s21 =	sshll.u32 @!p0 s11, $0x7;
	s20 =	sand.u32 @!p0 $0xFFFFFC00, s20  }
0x21: {  	s19 =	sadd.s32 @!p0 s19, s20;
	s20 =	sand.u32 @!p0 $0x380, s21  }
0x22: {  	s21 =	sand.u32 @!p0 $0x7F, s10;
	s19 =	sor.u32 @!p0 s20, s19  }
0x23: {  	s20 =	sor.u32 @!p0 s21, s19  }
0x24: {  	s21 =	smulhi.u32 @!p0 $0xAAAAAAAB, s20  }
0x25: {  	s19 =	smulhi.u32 @!p0 $0xAAAAAAAB, s19  }
0x26: {  	s31 =	sadd.s32 $0xFFFFFFFF, s14;
	s23 =	smul.u32 @!p0 $0xC00, s13;
	s21 =	sshrl.u32 @!p0 s21, $0x9  }
0x27: {  	s22 =	sxor.u32 @!p0 $0xFFFFFFFF, s14;
	s19 =	sshrl.u32 @!p0 s19, $0x9;
	s21 =	smul.u32 @!p0 $0x300, s21  }
0x28: {  	s24 =	smul.u32 @!p0 $0x300, s12;
	s22 =	sshll.u32 @!p0 s22, $0xE;
	s19 =	sand.u32 @!p0 $0x7, s19  }
0x29: {  	s19 =	smul.u32 @!p0 $0x60, s19;
	s20 =	ssub.s32 @!p0 s20, s21;
	s21 =	sadd.s32 @!p0 s6, s23  }
0x2a: {  	s22 =	sand.u32 @!p0 $0x4000, s22;
	s21 =	sadd.s32 @!p0 s24, s21;
	s23 =	sand.u32 @!p0 $0x7, s20  }
0x2b: {  	s20 =	sshrl.u32 @!p0 s20, $0x3;
	s19 =	sadd.s32 @!p0 s19, s21;
	s21 =	sshll.u32 @!p0 s23, $0x12  }
0x2c: {  	s19 =	sadd.s32 @!p0 s20, s19;
	s20 =	sor.u32 @!p0 $0x800, s21;
	s21 =	simm.s32 @!p0 $0x6000  }
0x2d: {  	[tilespmem:s22], [sflag:$0x1] =	stream.strided.gather @!p0 [hbm4b:s19+s20], $0x4000, s21, s20, $0x38;
	[tilespmem:$0x10000] =	vst v63  }
0x2e: {  	p0 =	sge.u32 s31, s5  }
.Ltmp2:
0x2f: {  	_ = 	snop;
	(pc) =	sbr.rel @p0 .LBB1_7-.Ltmp2, $1  }
0x30: {  	_ =	sdelay $0x3  }
0x31: {  	s19 =	sand.u32 $0x4000, s9  }
0x32: {  	_ =	swait.ge [sflag:s4], $0x4000;
	s22 =	sshll.u32 s14, $0xE;
	s20 =	sor.u32 $0x400, s19  }
0x33: {  	s21 =	sor.u32 $0x8470, s19;
	[sflag:s4] =	ssyncset.done $0x0;
	s31 =	sand.u32 $0x4000, s22  }
0x34: {  	s22 =	simm.s32 $0x0;
	[sflag:s4] =	ssyncadd.s32 $0xFFFFC000;
	s19 =	sor.u32 $0x8000, s31  }
.LBB1_3:
0x35: {  	v1 =	vmov s20;
	_ =	sdelay $0x3  }
0x36: {  	s23 =	simm.s32 $0x0  }
0x37: {  	v2 =	vld.idx.msk [tilespmem:v1+s23+$0x70 ss:$0x1], $0xffff  }
0x38: {  	v0 =	vmov s21;
	v3 =	vld.idx.msk [tilespmem:v1+s23+$0xFFFFFC00 ss:$0x1], $0xffff  }
0x39: {  	v4 =	vld.idx.msk [tilespmem:v1+s23+$0xFFFFFC10 ss:$0x1], $0xffff  }
0x3a: {  	v5 =	vld.idx.msk [tilespmem:v1+s23+$0xFFFFFC20 ss:$0x1], $0xffff  }
0x3b: {  	v6 =	vld.idx.msk [tilespmem:v1+s23+$0xFFFFFC30 ss:$0x1], $0xffff  }
0x3c: {  	v7 =	vld.idx.msk [tilespmem:v1+s23+$0xFFFFFC40 ss:$0x1], $0xffff  }
0x3d: {  	v8 =	vld.idx.msk [tilespmem:v1+s23+$0xFFFFFC50 ss:$0x1], $0xffff;
	[tilespmem:v0+s23+$0x0 ss:$0x1] =	vst.idx.msk $0xffff, v2  }
0x3e: {  	v9 =	vld.idx.msk [tilespmem:v1+s23+$0xFFFFFC60 ss:$0x1], $0xffff;
	[tilespmem:v0+s23+$0xFFFFFB90 ss:$0x1] =	vst.idx.msk $0xffff, v3  }
0x3f: {  	v10 =	vld.idx.msk [tilespmem:v1+s23+$0xFFFFFC70 ss:$0x1], $0xffff;
	[tilespmem:v0+s23+$0xFFFFFBA0 ss:$0x1] =	vst.idx.msk $0xffff, v4  }
0x40: {  	v11 =	vld.idx.msk [tilespmem:v1+s23+$0x0 ss:$0x1], $0xffff;
	[tilespmem:v0+s23+$0xFFFFFBB0 ss:$0x1] =	vst.idx.msk $0xffff, v5  }
0x41: {  	[tilespmem:v0+s23+$0xFFFFFBC0 ss:$0x1] =	vst.idx.msk $0xffff, v6;
	v2 =	vld.idx.msk [tilespmem:v1+s23+$0x10 ss:$0x1], $0xffff  }
0x42: {  	[tilespmem:v0+s23+$0xFFFFFBD0 ss:$0x1] =	vst.idx.msk $0xffff, v7;
	v3 =	vld.idx.msk [tilespmem:v1+s23+$0x20 ss:$0x1], $0xffff  }
0x43: {  	[tilespmem:v0+s23+$0xFFFFFBE0 ss:$0x1] =	vst.idx.msk $0xffff, v8;
	v4 =	vld.idx.msk [tilespmem:v1+s23+$0x30 ss:$0x1], $0xffff  }
0x44: {  	[tilespmem:v0+s23+$0xFFFFFBF0 ss:$0x1] =	vst.idx.msk $0xffff, v9;
	v5 =	vld.idx.msk [tilespmem:v1+s23+$0x40 ss:$0x1], $0xffff  }
0x45: {  	[tilespmem:v0+s23+$0xFFFFFC00 ss:$0x1] =	vst.idx.msk $0xffff, v10;
	v6 =	vld.idx.msk [tilespmem:v1+s23+$0x50 ss:$0x1], $0xffff  }
0x46: {  	s24 =	simm.s32 $0x80;
	s25 =	simm.s32 $0x400;
	[tilespmem:v0+s23+$0xFFFFFF90 ss:$0x1] =	vst.idx.msk $0xffff, v11;
	v7 =	vld.idx.msk [tilespmem:v1+s23+$0x60 ss:$0x1], $0xffff  }
.LBB1_4:
0x47: {  	p0 =	sne.s32 s25, $0xE00;
	v8 =	vld.idx.msk [tilespmem:v1+s24+$0x70 ss:$0x1], $0xffff;
	[tilespmem:v0+s23+$0xFFFFFFA0 ss:$0x1] =	vst.idx.msk $0xffff, v2  }
0x48: {  	v2 =	vld.idx.msk [tilespmem:v1+s24+$0xFFFFFC00 ss:$0x1], $0xffff;
	[tilespmem:v0+s23+$0xFFFFFFB0 ss:$0x1] =	vst.idx.msk $0xffff, v3  }
0x49: {  	v3 =	vld.idx.msk [tilespmem:v1+s24+$0xFFFFFC10 ss:$0x1], $0xffff;
	[tilespmem:v0+s23+$0xFFFFFFC0 ss:$0x1] =	vst.idx.msk $0xffff, v4  }
0x4a: {  	v4 =	vld.idx.msk [tilespmem:v1+s24+$0xFFFFFC20 ss:$0x1], $0xffff;
	[tilespmem:v0+s23+$0xFFFFFFD0 ss:$0x1] =	vst.idx.msk $0xffff, v5  }
0x4b: {  	v5 =	vld.idx.msk [tilespmem:v1+s24+$0xFFFFFC30 ss:$0x1], $0xffff;
	[tilespmem:v0+s23+$0xFFFFFFE0 ss:$0x1] =	vst.idx.msk $0xffff, v6  }
0x4c: {  	v6 =	vld.idx.msk [tilespmem:v1+s24+$0xFFFFFC40 ss:$0x1], $0xffff;
	[tilespmem:v0+s23+$0xFFFFFFF0 ss:$0x1] =	vst.idx.msk $0xffff, v7;
	s23 =	smov.u32 s24  }
0x4d: {  	v7 =	vld.idx.msk [tilespmem:v1+s23+$0xFFFFFC50 ss:$0x1], $0xffff;
	[tilespmem:v0+s23+$0x0 ss:$0x1] =	vst.idx.msk $0xffff, v8  }
0x4e: {  	[tilespmem:v0+s23+$0xFFFFFB90 ss:$0x1] =	vst.idx.msk $0xffff, v2;
	v8 =	vld.idx.msk [tilespmem:v1+s23+$0xFFFFFC60 ss:$0x1], $0xffff  }
0x4f: {  	[tilespmem:v0+s23+$0xFFFFFBA0 ss:$0x1] =	vst.idx.msk $0xffff, v3;
	v9 =	vld.idx.msk [tilespmem:v1+s23+$0xFFFFFC70 ss:$0x1], $0xffff  }
0x50: {  	[tilespmem:v0+s23+$0xFFFFFBB0 ss:$0x1] =	vst.idx.msk $0xffff, v4;
	v10 =	vld.idx.msk [tilespmem:v1+s23+$0x0 ss:$0x1], $0xffff  }
0x51: {  	[tilespmem:v0+s23+$0xFFFFFBC0 ss:$0x1] =	vst.idx.msk $0xffff, v5;
	v2 =	vld.idx.msk [tilespmem:v1+s23+$0x10 ss:$0x1], $0xffff  }
.Ltmp3:
0x52: {  	[tilespmem:v0+s23+$0xFFFFFBD0 ss:$0x1] =	vst.idx.msk $0xffff, v6;
	v3 =	vld.idx.msk [tilespmem:v1+s23+$0x20 ss:$0x1], $0xffff;
	(pc) =	sbr.rel @p0 .LBB1_4-.Ltmp3, $4  }
0x53: {  	[tilespmem:v0+s23+$0xFFFFFBE0 ss:$0x1] =	vst.idx.msk $0xffff, v7;
	v4 =	vld.idx.msk [tilespmem:v1+s23+$0x30 ss:$0x1], $0xffff  }
0x54: {  	[tilespmem:v0+s23+$0xFFFFFBF0 ss:$0x1] =	vst.idx.msk $0xffff, v8;
	v5 =	vld.idx.msk [tilespmem:v1+s23+$0x40 ss:$0x1], $0xffff  }
0x55: {  	[tilespmem:v0+s23+$0xFFFFFC00 ss:$0x1] =	vst.idx.msk $0xffff, v9;
	v6 =	vld.idx.msk [tilespmem:v1+s23+$0x50 ss:$0x1], $0xffff  }
0x56: {  	s24 =	sshra.s32 s25, $0x2;
	s25 =	sadd.s32 $0x200, s25;
	[tilespmem:v0+s23+$0xFFFFFF90 ss:$0x1] =	vst.idx.msk $0xffff, v10;
	v7 =	vld.idx.msk [tilespmem:v1+s23+$0x60 ss:$0x1], $0xffff  }
0x57: {  	_ =	sdelay $0x3  }
0x58: {  	[tilespmem:v0+s23+$0xFFFFFFA0 ss:$0x1] =	vst.idx.msk $0xffff, v2  }
0x59: {  	v48 =	vld.idx.msk [tilespmem:v1+s24+$0x70 ss:$0x1], $0xffff;
	[tilespmem:v0+s23+$0xFFFFFFB0 ss:$0x1] =	vst.idx.msk $0xffff, v3  }
0x5a: {  	v49 =	vld.idx.msk [tilespmem:v1+s24+$0xFFFFFC00 ss:$0x1], $0xffff;
	[tilespmem:v0+s23+$0xFFFFFFC0 ss:$0x1] =	vst.idx.msk $0xffff, v4  }
0x5b: {  	v50 =	vld.idx.msk [tilespmem:v1+s24+$0xFFFFFC10 ss:$0x1], $0xffff;
	[tilespmem:v0+s23+$0xFFFFFFD0 ss:$0x1] =	vst.idx.msk $0xffff, v5  }
0x5c: {  	v51 =	vld.idx.msk [tilespmem:v1+s24+$0xFFFFFC20 ss:$0x1], $0xffff;
	[tilespmem:v0+s23+$0xFFFFFFE0 ss:$0x1] =	vst.idx.msk $0xffff, v6  }
0x5d: {  	v52 =	vld.idx.msk [tilespmem:v1+s24+$0xFFFFFC30 ss:$0x1], $0xffff;
	[tilespmem:v0+s23+$0xFFFFFFF0 ss:$0x1] =	vst.idx.msk $0xffff, v7  }
0x5e: {  	v53 =	vld.idx.msk [tilespmem:v1+s24+$0xFFFFFC40 ss:$0x1], $0xffff;
	[tilespmem:v0+s24+$0x0 ss:$0x1] =	vst.idx.msk $0xffff, v48  }
0x5f: {  	v54 =	vld.idx.msk [tilespmem:v1+s24+$0xFFFFFC50 ss:$0x1], $0xffff;
	[tilespmem:v0+s24+$0xFFFFFB90 ss:$0x1] =	vst.idx.msk $0xffff, v49  }
0x60: {  	v55 =	vld.idx.msk [tilespmem:v1+s24+$0xFFFFFC60 ss:$0x1], $0xffff;
	[tilespmem:v0+s24+$0xFFFFFBA0 ss:$0x1] =	vst.idx.msk $0xffff, v50  }
0x61: {  	v56 =	vld.idx.msk [tilespmem:v1+s24+$0xFFFFFC70 ss:$0x1], $0xffff;
	[tilespmem:v0+s24+$0xFFFFFBB0 ss:$0x1] =	vst.idx.msk $0xffff, v51  }
0x62: {  	v57 =	vld.idx.msk [tilespmem:v1+s24+$0x0 ss:$0x1], $0xffff;
	[tilespmem:v0+s24+$0xFFFFFBC0 ss:$0x1] =	vst.idx.msk $0xffff, v52  }
0x63: {  	v58 =	vld.idx.msk [tilespmem:v1+s24+$0x10 ss:$0x1], $0xffff;
	[tilespmem:v0+s24+$0xFFFFFBD0 ss:$0x1] =	vst.idx.msk $0xffff, v53  }
0x64: {  	v59 =	vld.idx.msk [tilespmem:v1+s24+$0x20 ss:$0x1], $0xffff;
	[tilespmem:v0+s24+$0xFFFFFBE0 ss:$0x1] =	vst.idx.msk $0xffff, v54  }
0x65: {  	v60 =	vld.idx.msk [tilespmem:v1+s24+$0x30 ss:$0x1], $0xffff;
	[tilespmem:v0+s24+$0xFFFFFBF0 ss:$0x1] =	vst.idx.msk $0xffff, v55  }
0x66: {  	v61 =	vld.idx.msk [tilespmem:v1+s24+$0x40 ss:$0x1], $0xffff;
	[tilespmem:v0+s24+$0xFFFFFC00 ss:$0x1] =	vst.idx.msk $0xffff, v56  }
0x67: {  	v62 =	vld.idx.msk [tilespmem:v1+s24+$0x50 ss:$0x1], $0xffff;
	s22 =	sadd.s32 $0x1, s22;
	[tilespmem:v0+s24+$0xFFFFFF90 ss:$0x1] =	vst.idx.msk $0xffff, v57  }
0x68: {  	v63 =	vld.idx.msk [tilespmem:v1+s24+$0x60 ss:$0x1], $0xffff;
	p0 =	sne.s32 s22, $0x8;
	[tilespmem:v0+s24+$0xFFFFFFA0 ss:$0x1] =	vst.idx.msk $0xffff, v58  }
.Ltmp4:
0x69: {  	[tilespmem:v0+s24+$0xFFFFFFB0 ss:$0x1] =	vst.idx.msk $0xffff, v59;
	(pc) =	sbr.rel @p0 .LBB1_3-.Ltmp4, $4  }
0x6a: {  	[tilespmem:v0+s24+$0xFFFFFFC0 ss:$0x1] =	vst.idx.msk $0xffff, v60  }
0x6b: {  	[tilespmem:v0+s24+$0xFFFFFFD0 ss:$0x1] =	vst.idx.msk $0xffff, v61  }
0x6c: {  	[tilespmem:v0+s24+$0xFFFFFFE0 ss:$0x1] =	vst.idx.msk $0xffff, v62  }
0x6d: {  	s20 =	sadd.s32 $0x800, s20;
	s21 =	sadd.s32 $0x800, s21;
	[tilespmem:v0+s24+$0xFFFFFFF0 ss:$0x1] =	vst.idx.msk $0xffff, v63  }
0x6e: {  	s20 =	sshrl.u32 s18, $0x3  }
0x6f: {  	s21 =	sshll.u32 s16, $0x3;
	s20 =	smul.u32 $0x1800, s20  }
0x70: {  	s27 =	sshll.u32 s18, $0x7;
	s21 =	sand.u32 $0xFFFFFC00, s21  }
0x71: {  	s18 =	sand.u32 $0x380, s27;
	s20 =	sadd.s32 s20, s21  }
0x72: {  	s28 =	sand.u32 $0x7F, s16;
	s18 =	sor.u32 s18, s20  }
0x73: {  	s16 =	sor.u32 s28, s18;
	s18 =	smulhi.u32 $0xAAAAAAAB, s18  }
0x74: {  	s29 =	smulhi.u32 $0xAAAAAAAB, s16  }
0x75: {  	s17 =	smul.u32 $0x300, s17  }
0x76: {  	s15 =	smul.u32 $0x60000, s15;
	s18 =	sshrl.u32 s18, $0x9;
	s20 =	sshrl.u32 s29, $0x9  }
0x77: {  	s18 =	sand.u32 $0x7, s18;
	s20 =	smul.u32 $0x300, s20  }
0x78: {  	s18 =	smul.u32 $0x60, s18  }
.Ltmp5:
0x79: {  	s17 =	sadd.s32 s3, s17;
	s16 =	ssub.s32 s16, s20;
	(pc) =	sbr.rel .LBB1_7-.Ltmp5, $4  }
0x7a: {  	s15 =	sadd.s32 s15, s17;
	s30 =	sand.u32 $0x7, s16  }
0x7b: {  	s15 =	sadd.s32 s18, s15;
	s16 =	sshrl.u32 s16, $0x3;
	s17 =	sshll.u32 s30, $0x12  }
0x7c: {  	s15 =	sadd.s32 s16, s15;
	s31 =	sor.u32 $0x800, s17  }
0x7d: {  	[hbm4b:s15+s31] =	stream.strided.scatter [tilespmem:s19], [sflag:$0x2], $0x4000, s8, s31, $0x38;
	[tilespmem:$0x10000] =	vst v63  }
.LBB1_8:
0x7e: {  	_ =	sfence.sel $0x180000  }
0x7f: {  	s2 =	simm.s32 $0x1;
	[bflag:$0x0] =	sbarrier.arrive $0xFFFF  }
0x80: {  	s31 =	simm.s32 $0x2;
	[sflag:s2] =	ssyncpa.u1 $0x1  }
0x81: {  	[sflag:s31] =	ssyncpa.u1 $0x1  }
0x82: {  	p0 =	sne.s32 s0, $0x0;
	_ =	strace $0x90000050  }
0x83: {  	s0 =	sadd.s32 @!p0 $0x100000, s1;
	[bflag:$0x2] =	sbarrier.arrive $0xFFFF  }
0x84: {  	[sflag:s0] =	ssyncadd.tile.s32 @!p0 $0x1;
	_ =	shalt  }
.Lfunc_end1:
_tile_overlayer_lowered:
.L_overlay_start_2:
0x85: {  	(tag) =	ssettag $0x2  }
0x86: {  	s0 =	rddreg [dreg:$0x0];
	s2 =	stileid.u32  }
0x87: {  	s1 =	rddreg [dreg:$0x1];
	p0 =	sne.s32 s2, $0x0  }
0x88: {  	s3 =	rddreg [dreg:$0x2];
	[bflag:$0x3] =	sbarrier.arrive $0xFFFF;
	s2 =	simm.s32 @!p0 $0x1C01  }
0x89: {  	[timem:s3], [sflag:s2] =	dma.local @!p0 [hbm:s0], s1  }
0x8a: {  	s0 =	simm.s32 @!p0 $0x1  }
0x8b: {  	_ =	swait.ge @!p0 [sflag:s0], s1  }
0x8c: {  	s1 =	ssub.s32 @!p0 $0x0, s1;
	[sflag:s0] =	ssyncset.done @!p0 $0x0  }
0x8d: {  	[sflag:s0] =	ssyncadd.s32 @!p0 s1  }
0x8e: {  	[bflag:$0x3] =	sbarrier.arrive $0xFFFF  }
0x8f: {  	_ =	shalt  }

</sc_bundles>
